<compile_context>
chip_gen: v7x
topology: tpu7x:2x2x1
jax: 0.10.2.dev20260603
libtpu: 0.0.44.dev20260713+nightly
codegen_flags: <defaults>
</compile_context>

<pallas_src>
import functools

import jax
import jax.numpy as jnp
from jax import lax
from jax.experimental import pallas as pl
from jax.experimental.pallas import tpu as pltpu
from jax.experimental.pallas import tpu_sc as plsc

_ROW_BLOCK = 1024
_WINDOW_EDGES = (0, 2816, 5632, 8192)
_GATHER_CHUNK = 128


def _argmin_body(x_ref, e_ref, xsq_ref, esq_ref, colsf_ref, idx_ref):
    sim = lax.dot_general(
        x_ref[...], e_ref[...], (((1,), (0,)), ((), ())),
        preferred_element_type=jnp.float32,
    )
    d = (xsq_ref[...] + esq_ref[...]) - 2.0 * sim
    n = d.shape[1]
    cols = colsf_ref[...]
    acc_v = None
    for lo, hi in zip(_WINDOW_EDGES[:-1], _WINDOW_EDGES[1:]):
        dw = d[:, lo:hi]
        wv = jnp.min(dw, axis=1, keepdims=True)
        wi = jnp.min(
            jnp.where(dw == wv, cols[:, lo:hi], jnp.float32(n)),
            axis=1, keepdims=True,
        )
        if acc_v is None:
            acc_v, acc_i = wv, wi
        else:
            win = wv < acc_v
            acc_i = jnp.where(win, wi, acc_i)
            acc_v = jnp.where(win, wv, acc_v)
        acc_v = acc_v.astype(jnp.bfloat16).astype(jnp.float32)
    idx_ref[...] = acc_i.astype(jnp.int32)


def _tc_argmin(xf, emb, xsq, esq):
    b, d = xf.shape
    n = emb.shape[1]
    rb = _ROW_BLOCK
    return pl.pallas_call(
        _argmin_body,
        grid=(b // rb,),
        in_specs=[
            pl.BlockSpec((rb, d), lambda r: (r, 0)),
            pl.BlockSpec((d, n), lambda r: (0, 0)),
            pl.BlockSpec((rb, 1), lambda r: (r, 0)),
            pl.BlockSpec((1, n), lambda r: (0, 0)),
            pl.BlockSpec((1, n), lambda r: (0, 0)),
        ],
        out_specs=pl.BlockSpec((rb, 1), lambda r: (r, 0)),
        out_shape=jax.ShapeDtypeStruct((b, 1), jnp.int32),
    )(xf, emb, xsq, esq, lax.iota(jnp.float32, n).reshape(1, n))


def _sc_gather(table, idx):
    n, d = table.shape
    b = idx.shape[0]
    info = plsc.get_sparse_core_info()
    nw = info.num_cores * info.num_subcores
    ch = _GATHER_CHUNK
    per_w = b // nw
    n_ch = per_w // ch
    mesh = plsc.VectorSubcoreMesh(core_axis_name="c", subcore_axis_name="s")

    @functools.partial(
        pl.kernel,
        mesh=mesh,
        out_type=jax.ShapeDtypeStruct((b, d), jnp.float32),
        scratch_types=[
            pltpu.VMEM((ch,), jnp.int32),
            pltpu.VMEM((ch,), jnp.int32),
            pltpu.VMEM((ch, d), jnp.float32),
            pltpu.VMEM((ch, d), jnp.float32),
            pltpu.SemaphoreType.DMA,
            pltpu.SemaphoreType.DMA,
        ],
    )
    def k(table_hbm, idx_hbm, out_hbm, idx_v0, idx_v1, rows_v0, rows_v1, sem0, sem1):
        wid = lax.axis_index("s") * info.num_cores + lax.axis_index("c")
        idx_v = (idx_v0, idx_v1)
        rows_v = (rows_v0, rows_v1)
        sem = (sem0, sem1)
        copies = [None, None]
        for c in range(n_ch):
            s = c % 2
            base = wid * per_w + c * ch
            pltpu.sync_copy(idx_hbm.at[pl.ds(base, ch)], idx_v[s])
            copies[s] = pltpu.async_copy(table_hbm.at[idx_v[s]], rows_v[s], sem[s])
            if c > 0:
                copies[1 - s].wait()
                prev = wid * per_w + (c - 1) * ch
                pltpu.sync_copy(rows_v[1 - s], out_hbm.at[pl.ds(prev, ch)])
        last = n_ch - 1
        copies[last % 2].wait()
        pltpu.sync_copy(rows_v[last % 2],
                        out_hbm.at[pl.ds(wid * per_w + last * ch, ch)])

    return k(table, idx)


def kernel(x, embeddings):
    d = embeddings.shape[0]
    b = x.size // d
    xf = x.reshape(b, d)
    xsq = jnp.sum(xf**2, axis=1, keepdims=True)
    esq = jnp.sum(embeddings**2, axis=0, keepdims=True)
    idx = _tc_argmin(xf, embeddings, xsq, esq)
    quantized = _sc_gather(embeddings.T, idx.reshape(b))
    return quantized.reshape(x.shape)

# --- scband reference (transcript-rebuilt; emitter-appended) ---
"""Pipeline reference for scband-vector-quantizer-32100585571102 (READ-ONLY COPY).

The authoritative reference and input builder live on the scoring server;
editing this copy changes nothing except your own understanding.
"""

import jax, jax.numpy as jnp
import numpy as np


def setup_inputs(seed: int = 0) -> dict:
    key = jax.random.key(seed)
    k1, k2 = jax.random.split(key)
    x = jax.random.normal(k1, (16, 1024, 256), dtype=jnp.float32)
    # tf.random_uniform_initializer default range is [-0.05, 0.05]; shape (embedding_dim, num_embeddings)
    embeddings = jax.random.uniform(k2, (256, 8192), dtype=jnp.float32, minval=-0.05, maxval=0.05)
    return {"x": x, "embeddings": embeddings}


def reference(x, embeddings):
    embedding_dim = embeddings.shape[0]
    num_embeddings = embeddings.shape[1]
    input_shape = x.shape
    flattened = x.reshape(-1, embedding_dim)
    # get_code_indices
    similarity = flattened @ embeddings
    distances = (
        jnp.sum(flattened ** 2, axis=1, keepdims=True)
        + jnp.sum(embeddings ** 2, axis=0)
        - 2.0 * similarity
    )
    encoding_indices = jnp.argmin(distances, axis=1)
    encodings = jax.nn.one_hot(encoding_indices, num_embeddings, dtype=flattened.dtype)
    quantized = encodings @ embeddings.T
    quantized = quantized.reshape(input_shape)
    # straight-through estimator
    quantized_st = x + jax.lax.stop_gradient(quantized - x)
    return quantized_st

if __name__ == "__main__":
    import jax
    _d = setup_inputs()
    print(jax.jit(kernel)(*tuple(_d.values())))

</pallas_src>

<mosaic_0001>
#map = affine_map<(d0, d1) -> (0, 0)>
#map1 = affine_map<(d0, d1) -> (0)>
module attributes {stable_mosaic.version = 14 : i64} {
  func.func @k(%arg0: i32, %arg1: i32, %arg2: memref<8192x256xf32, #tpu.memory_space<hbm>>, %arg3: memref<16384xi32, #tpu.memory_space<hbm>>, %arg4: memref<16384x256xf32, #tpu.memory_space<hbm>>, %arg5: memref<128xi32, #tpu.memory_space<vmem>>, %arg6: memref<128xi32, #tpu.memory_space<vmem>>, %arg7: memref<128x256xf32, #tpu.memory_space<vmem>>, %arg8: memref<128x256xf32, #tpu.memory_space<vmem>>, %arg9: memref<!tpu.dma_semaphore, #tpu.memory_space<semaphore_mem>>, %arg10: memref<!tpu.dma_semaphore, #tpu.memory_space<semaphore_mem>>) attributes {dimension_semantics = [#tpu.dimension_semantics<core_parallel>, #tpu.dimension_semantics<subcore_parallel>], iteration_bounds = array<i64: 2, 16>, scalar_prefetch = 0 : i64, scratch_operands = 6 : i64, tpu.core_type = #tpu.core_type<sc_vector_subcore>, window_params = [{transform_indices = #map}, {transform_indices = #map1}, {transform_indices = #map}]} {
    %mul3A = arith.constant 2 : i32
    %mul3A_0 = arith.muli %arg1, %mul3A : i32
    %add3A = arith.addi %mul3A_0, %arg0 : i32
    %mul3A_1 = arith.constant 512 : i32
    %mul3A_2 = arith.muli %add3A, %mul3A_1 : i32
    %add3A_3 = arith.constant 0 : i32
    %add3A_4 = arith.addi %mul3A_2, %add3A_3 : i32
    "tpu.region"() ({
      %run_scoped3A = tpu.sem_alloc : memref<!tpu.dma_semaphore, #tpu.memory_space<semaphore_mem>>
      %dma_start3A_55 = tpu.memref_slice %arg3[%add3A_4] : memref<16384xi32, #tpu.memory_space<hbm>> -> memref<128xi32, #tpu.memory_space<hbm>>
      %dma_start3A_56 = tpu.memref_slice %arg3[%add3A_4] : memref<16384xi32, #tpu.memory_space<hbm>> -> memref<128xi32, #tpu.memory_space<hbm>>
      tpu.enqueue_dma source(%dma_start3A_56 : memref<128xi32, #tpu.memory_space<hbm>>) target(%arg5 : memref<128xi32, #tpu.memory_space<vmem>>) target_semaphore(%run_scoped3A : memref<!tpu.dma_semaphore, #tpu.memory_space<semaphore_mem>>)
      %dma_wait3A_57 = tpu.memref_slice %arg3[%add3A_4] : memref<16384xi32, #tpu.memory_space<hbm>> -> memref<128xi32, #tpu.memory_space<hbm>>
      %dma_wait3A_58 = tpu.memref_slice %arg3[%add3A_4] : memref<16384xi32, #tpu.memory_space<hbm>> -> memref<128xi32, #tpu.memory_space<hbm>>
      tpu.wait_dma2 semaphore(%run_scoped3A : memref<!tpu.dma_semaphore, #tpu.memory_space<semaphore_mem>>) src(%dma_wait3A_58 : memref<128xi32, #tpu.memory_space<hbm>>) dst(%arg5 : memref<128xi32, #tpu.memory_space<vmem>>)
      tpu.yield
    }) : () -> ()
    %dma_start3A = arith.constant 0 : i32
    %dma_start3A_5 = arith.constant 0 : i32
    %dma_start3A_6 = tpu.memref_slice %arg2[%dma_start3A, %dma_start3A_5] : memref<8192x256xf32, #tpu.memory_space<hbm>> -> memref<8192x256xf32, #tpu.memory_space<hbm>>
    tpu.enqueue_indirect_dma source(%dma_start3A_6 : memref<8192x256xf32, #tpu.memory_space<hbm>>) target(%arg7 : memref<128x256xf32, #tpu.memory_space<vmem>>) offsets(%arg5 : memref<128xi32, #tpu.memory_space<vmem>>) semaphore(%arg9 : memref<!tpu.dma_semaphore, #tpu.memory_space<semaphore_mem>>)
    %mul3A_7 = arith.constant 512 : i32
    %mul3A_8 = arith.muli %add3A, %mul3A_7 : i32
    %add3A_9 = arith.constant 128 : i32
    %add3A_10 = arith.addi %mul3A_8, %add3A_9 : i32
    "tpu.region"() ({
      %run_scoped3A = tpu.sem_alloc : memref<!tpu.dma_semaphore, #tpu.memory_space<semaphore_mem>>
      %dma_start3A_55 = tpu.memref_slice %arg3[%add3A_10] : memref<16384xi32, #tpu.memory_space<hbm>> -> memref<128xi32, #tpu.memory_space<hbm>>
      %dma_start3A_56 = tpu.memref_slice %arg3[%add3A_10] : memref<16384xi32, #tpu.memory_space<hbm>> -> memref<128xi32, #tpu.memory_space<hbm>>
      tpu.enqueue_dma source(%dma_start3A_56 : memref<128xi32, #tpu.memory_space<hbm>>) target(%arg6 : memref<128xi32, #tpu.memory_space<vmem>>) target_semaphore(%run_scoped3A : memref<!tpu.dma_semaphore, #tpu.memory_space<semaphore_mem>>)
      %dma_wait3A_57 = tpu.memref_slice %arg3[%add3A_10] : memref<16384xi32, #tpu.memory_space<hbm>> -> memref<128xi32, #tpu.memory_space<hbm>>
      %dma_wait3A_58 = tpu.memref_slice %arg3[%add3A_10] : memref<16384xi32, #tpu.memory_space<hbm>> -> memref<128xi32, #tpu.memory_space<hbm>>
      tpu.wait_dma2 semaphore(%run_scoped3A : memref<!tpu.dma_semaphore, #tpu.memory_space<semaphore_mem>>) src(%dma_wait3A_58 : memref<128xi32, #tpu.memory_space<hbm>>) dst(%arg6 : memref<128xi32, #tpu.memory_space<vmem>>)
      tpu.yield
    }) : () -> ()
    %dma_start3A_11 = arith.constant 0 : i32
    %dma_start3A_12 = arith.constant 0 : i32
    %dma_start3A_13 = tpu.memref_slice %arg2[%dma_start3A_11, %dma_start3A_12] : memref<8192x256xf32, #tpu.memory_space<hbm>> -> memref<8192x256xf32, #tpu.memory_space<hbm>>
    tpu.enqueue_indirect_dma source(%dma_start3A_13 : memref<8192x256xf32, #tpu.memory_space<hbm>>) target(%arg8 : memref<128x256xf32, #tpu.memory_space<vmem>>) offsets(%arg6 : memref<128xi32, #tpu.memory_space<vmem>>) semaphore(%arg10 : memref<!tpu.dma_semaphore, #tpu.memory_space<semaphore_mem>>)
    %dma_wait3A = arith.constant 0 : i32
    %dma_wait3A_14 = arith.constant 0 : i32
    %dma_wait3A_15 = tpu.memref_slice %arg2[%dma_wait3A, %dma_wait3A_14] : memref<8192x256xf32, #tpu.memory_space<hbm>> -> memref<8192x256xf32, #tpu.memory_space<hbm>>
    tpu.wait_indirect_dma semaphore(%arg9 : memref<!tpu.dma_semaphore, #tpu.memory_space<semaphore_mem>>) src(%dma_wait3A_15 : memref<8192x256xf32, #tpu.memory_space<hbm>>) dst(%arg7 : memref<128x256xf32, #tpu.memory_space<vmem>>)
    %mul3A_16 = arith.constant 512 : i32
    %mul3A_17 = arith.muli %add3A, %mul3A_16 : i32
    %add3A_18 = arith.constant 0 : i32
    %add3A_19 = arith.addi %mul3A_17, %add3A_18 : i32
    "tpu.region"() ({
      %run_scoped3A = tpu.sem_alloc : memref<!tpu.dma_semaphore, #tpu.memory_space<semaphore_mem>>
      %dma_start3A_55 = arith.constant 0 : i32
      %dma_start3A_56 = tpu.memref_slice %arg4[%add3A_19, %dma_start3A_55] : memref<16384x256xf32, #tpu.memory_space<hbm>> -> memref<128x256xf32, #tpu.memory_space<hbm>>
      %dma_start3A_57 = arith.constant 0 : i32
      %dma_start3A_58 = tpu.memref_slice %arg4[%add3A_19, %dma_start3A_57] : memref<16384x256xf32, #tpu.memory_space<hbm>> -> memref<128x256xf32, #tpu.memory_space<hbm>>
      tpu.enqueue_dma source(%arg7 : memref<128x256xf32, #tpu.memory_space<vmem>>) target(%dma_start3A_58 : memref<128x256xf32, #tpu.memory_space<hbm>>) target_semaphore(%run_scoped3A : memref<!tpu.dma_semaphore, #tpu.memory_space<semaphore_mem>>)
      %dma_wait3A_59 = arith.constant 0 : i32
      %dma_wait3A_60 = tpu.memref_slice %arg4[%add3A_19, %dma_wait3A_59] : memref<16384x256xf32, #tpu.memory_space<hbm>> -> memref<128x256xf32, #tpu.memory_space<hbm>>
      %dma_wait3A_61 = arith.constant 0 : i32
      %dma_wait3A_62 = tpu.memref_slice %arg4[%add3A_19, %dma_wait3A_61] : memref<16384x256xf32, #tpu.memory_space<hbm>> -> memref<128x256xf32, #tpu.memory_space<hbm>>
      tpu.wait_dma2 semaphore(%run_scoped3A : memref<!tpu.dma_semaphore, #tpu.memory_space<semaphore_mem>>) src(%arg7 : memref<128x256xf32, #tpu.memory_space<vmem>>) dst(%dma_wait3A_62 : memref<128x256xf32, #tpu.memory_space<hbm>>)
      tpu.yield
    }) : () -> ()
    %mul3A_20 = arith.constant 512 : i32
    %mul3A_21 = arith.muli %add3A, %mul3A_20 : i32
    %add3A_22 = arith.constant 256 : i32
    %add3A_23 = arith.addi %mul3A_21, %add3A_22 : i32
    "tpu.region"() ({
      %run_scoped3A = tpu.sem_alloc : memref<!tpu.dma_semaphore, #tpu.memory_space<semaphore_mem>>
      %dma_start3A_55 = tpu.memref_slice %arg3[%add3A_23] : memref<16384xi32, #tpu.memory_space<hbm>> -> memref<128xi32, #tpu.memory_space<hbm>>
      %dma_start3A_56 = tpu.memref_slice %arg3[%add3A_23] : memref<16384xi32, #tpu.memory_space<hbm>> -> memref<128xi32, #tpu.memory_space<hbm>>
      tpu.enqueue_dma source(%dma_start3A_56 : memref<128xi32, #tpu.memory_space<hbm>>) target(%arg5 : memref<128xi32, #tpu.memory_space<vmem>>) target_semaphore(%run_scoped3A : memref<!tpu.dma_semaphore, #tpu.memory_space<semaphore_mem>>)
      %dma_wait3A_57 = tpu.memref_slice %arg3[%add3A_23] : memref<16384xi32, #tpu.memory_space<hbm>> -> memref<128xi32, #tpu.memory_space<hbm>>
      %dma_wait3A_58 = tpu.memref_slice %arg3[%add3A_23] : memref<16384xi32, #tpu.memory_space<hbm>> -> memref<128xi32, #tpu.memory_space<hbm>>
      tpu.wait_dma2 semaphore(%run_scoped3A : memref<!tpu.dma_semaphore, #tpu.memory_space<semaphore_mem>>) src(%dma_wait3A_58 : memref<128xi32, #tpu.memory_space<hbm>>) dst(%arg5 : memref<128xi32, #tpu.memory_space<vmem>>)
      tpu.yield
    }) : () -> ()
    %dma_start3A_24 = arith.constant 0 : i32
    %dma_start3A_25 = arith.constant 0 : i32
    %dma_start3A_26 = tpu.memref_slice %arg2[%dma_start3A_24, %dma_start3A_25] : memref<8192x256xf32, #tpu.memory_space<hbm>> -> memref<8192x256xf32, #tpu.memory_space<hbm>>
    tpu.enqueue_indirect_dma source(%dma_start3A_26 : memref<8192x256xf32, #tpu.memory_space<hbm>>) target(%arg7 : memref<128x256xf32, #tpu.memory_space<vmem>>) offsets(%arg5 : memref<128xi32, #tpu.memory_space<vmem>>) semaphore(%arg9 : memref<!tpu.dma_semaphore, #tpu.memory_space<semaphore_mem>>)
    %dma_wait3A_27 = arith.constant 0 : i32
    %dma_wait3A_28 = arith.constant 0 : i32
    %dma_wait3A_29 = tpu.memref_slice %arg2[%dma_wait3A_27, %dma_wait3A_28] : memref<8192x256xf32, #tpu.memory_space<hbm>> -> memref<8192x256xf32, #tpu.memory_space<hbm>>
    tpu.wait_indirect_dma semaphore(%arg10 : memref<!tpu.dma_semaphore, #tpu.memory_space<semaphore_mem>>) src(%dma_wait3A_29 : memref<8192x256xf32, #tpu.memory_space<hbm>>) dst(%arg8 : memref<128x256xf32, #tpu.memory_space<vmem>>)
    %mul3A_30 = arith.constant 512 : i32
    %mul3A_31 = arith.muli %add3A, %mul3A_30 : i32
    %add3A_32 = arith.constant 128 : i32
    %add3A_33 = arith.addi %mul3A_31, %add3A_32 : i32
    "tpu.region"() ({
      %run_scoped3A = tpu.sem_alloc : memref<!tpu.dma_semaphore, #tpu.memory_space<semaphore_mem>>
      %dma_start3A_55 = arith.constant 0 : i32
      %dma_start3A_56 = tpu.memref_slice %arg4[%add3A_33, %dma_start3A_55] : memref<16384x256xf32, #tpu.memory_space<hbm>> -> memref<128x256xf32, #tpu.memory_space<hbm>>
      %dma_start3A_57 = arith.constant 0 : i32
      %dma_start3A_58 = tpu.memref_slice %arg4[%add3A_33, %dma_start3A_57] : memref<16384x256xf32, #tpu.memory_space<hbm>> -> memref<128x256xf32, #tpu.memory_space<hbm>>
      tpu.enqueue_dma source(%arg8 : memref<128x256xf32, #tpu.memory_space<vmem>>) target(%dma_start3A_58 : memref<128x256xf32, #tpu.memory_space<hbm>>) target_semaphore(%run_scoped3A : memref<!tpu.dma_semaphore, #tpu.memory_space<semaphore_mem>>)
      %dma_wait3A_59 = arith.constant 0 : i32
      %dma_wait3A_60 = tpu.memref_slice %arg4[%add3A_33, %dma_wait3A_59] : memref<16384x256xf32, #tpu.memory_space<hbm>> -> memref<128x256xf32, #tpu.memory_space<hbm>>
      %dma_wait3A_61 = arith.constant 0 : i32
      %dma_wait3A_62 = tpu.memref_slice %arg4[%add3A_33, %dma_wait3A_61] : memref<16384x256xf32, #tpu.memory_space<hbm>> -> memref<128x256xf32, #tpu.memory_space<hbm>>
      tpu.wait_dma2 semaphore(%run_scoped3A : memref<!tpu.dma_semaphore, #tpu.memory_space<semaphore_mem>>) src(%arg8 : memref<128x256xf32, #tpu.memory_space<vmem>>) dst(%dma_wait3A_62 : memref<128x256xf32, #tpu.memory_space<hbm>>)
      tpu.yield
    }) : () -> ()
    %mul3A_34 = arith.constant 512 : i32
    %mul3A_35 = arith.muli %add3A, %mul3A_34 : i32
    %add3A_36 = arith.constant 384 : i32
    %add3A_37 = arith.addi %mul3A_35, %add3A_36 : i32
    "tpu.region"() ({
      %run_scoped3A = tpu.sem_alloc : memref<!tpu.dma_semaphore, #tpu.memory_space<semaphore_mem>>
      %dma_start3A_55 = tpu.memref_slice %arg3[%add3A_37] : memref<16384xi32, #tpu.memory_space<hbm>> -> memref<128xi32, #tpu.memory_space<hbm>>
      %dma_start3A_56 = tpu.memref_slice %arg3[%add3A_37] : memref<16384xi32, #tpu.memory_space<hbm>> -> memref<128xi32, #tpu.memory_space<hbm>>
      tpu.enqueue_dma source(%dma_start3A_56 : memref<128xi32, #tpu.memory_space<hbm>>) target(%arg6 : memref<128xi32, #tpu.memory_space<vmem>>) target_semaphore(%run_scoped3A : memref<!tpu.dma_semaphore, #tpu.memory_space<semaphore_mem>>)
      %dma_wait3A_57 = tpu.memref_slice %arg3[%add3A_37] : memref<16384xi32, #tpu.memory_space<hbm>> -> memref<128xi32, #tpu.memory_space<hbm>>
      %dma_wait3A_58 = tpu.memref_slice %arg3[%add3A_37] : memref<16384xi32, #tpu.memory_space<hbm>> -> memref<128xi32, #tpu.memory_space<hbm>>
      tpu.wait_dma2 semaphore(%run_scoped3A : memref<!tpu.dma_semaphore, #tpu.memory_space<semaphore_mem>>) src(%dma_wait3A_58 : memref<128xi32, #tpu.memory_space<hbm>>) dst(%arg6 : memref<128xi32, #tpu.memory_space<vmem>>)
      tpu.yield
    }) : () -> ()
    %dma_start3A_38 = arith.constant 0 : i32
    %dma_start3A_39 = arith.constant 0 : i32
    %dma_start3A_40 = tpu.memref_slice %arg2[%dma_start3A_38, %dma_start3A_39] : memref<8192x256xf32, #tpu.memory_space<hbm>> -> memref<8192x256xf32, #tpu.memory_space<hbm>>
    tpu.enqueue_indirect_dma source(%dma_start3A_40 : memref<8192x256xf32, #tpu.memory_space<hbm>>) target(%arg8 : memref<128x256xf32, #tpu.memory_space<vmem>>) offsets(%arg6 : memref<128xi32, #tpu.memory_space<vmem>>) semaphore(%arg10 : memref<!tpu.dma_semaphore, #tpu.memory_space<semaphore_mem>>)
    %dma_wait3A_41 = arith.constant 0 : i32
    %dma_wait3A_42 = arith.constant 0 : i32
    %dma_wait3A_43 = tpu.memref_slice %arg2[%dma_wait3A_41, %dma_wait3A_42] : memref<8192x256xf32, #tpu.memory_space<hbm>> -> memref<8192x256xf32, #tpu.memory_space<hbm>>
    tpu.wait_indirect_dma semaphore(%arg9 : memref<!tpu.dma_semaphore, #tpu.memory_space<semaphore_mem>>) src(%dma_wait3A_43 : memref<8192x256xf32, #tpu.memory_space<hbm>>) dst(%arg7 : memref<128x256xf32, #tpu.memory_space<vmem>>)
    %mul3A_44 = arith.constant 512 : i32
    %mul3A_45 = arith.muli %add3A, %mul3A_44 : i32
    %add3A_46 = arith.constant 256 : i32
    %add3A_47 = arith.addi %mul3A_45, %add3A_46 : i32
    "tpu.region"() ({
      %run_scoped3A = tpu.sem_alloc : memref<!tpu.dma_semaphore, #tpu.memory_space<semaphore_mem>>
      %dma_start3A_55 = arith.constant 0 : i32
      %dma_start3A_56 = tpu.memref_slice %arg4[%add3A_47, %dma_start3A_55] : memref<16384x256xf32, #tpu.memory_space<hbm>> -> memref<128x256xf32, #tpu.memory_space<hbm>>
      %dma_start3A_57 = arith.constant 0 : i32
      %dma_start3A_58 = tpu.memref_slice %arg4[%add3A_47, %dma_start3A_57] : memref<16384x256xf32, #tpu.memory_space<hbm>> -> memref<128x256xf32, #tpu.memory_space<hbm>>
      tpu.enqueue_dma source(%arg7 : memref<128x256xf32, #tpu.memory_space<vmem>>) target(%dma_start3A_58 : memref<128x256xf32, #tpu.memory_space<hbm>>) target_semaphore(%run_scoped3A : memref<!tpu.dma_semaphore, #tpu.memory_space<semaphore_mem>>)
      %dma_wait3A_59 = arith.constant 0 : i32
      %dma_wait3A_60 = tpu.memref_slice %arg4[%add3A_47, %dma_wait3A_59] : memref<16384x256xf32, #tpu.memory_space<hbm>> -> memref<128x256xf32, #tpu.memory_space<hbm>>
      %dma_wait3A_61 = arith.constant 0 : i32
      %dma_wait3A_62 = tpu.memref_slice %arg4[%add3A_47, %dma_wait3A_61] : memref<16384x256xf32, #tpu.memory_space<hbm>> -> memref<128x256xf32, #tpu.memory_space<hbm>>
      tpu.wait_dma2 semaphore(%run_scoped3A : memref<!tpu.dma_semaphore, #tpu.memory_space<semaphore_mem>>) src(%arg7 : memref<128x256xf32, #tpu.memory_space<vmem>>) dst(%dma_wait3A_62 : memref<128x256xf32, #tpu.memory_space<hbm>>)
      tpu.yield
    }) : () -> ()
    %dma_wait3A_48 = arith.constant 0 : i32
    %dma_wait3A_49 = arith.constant 0 : i32
    %dma_wait3A_50 = tpu.memref_slice %arg2[%dma_wait3A_48, %dma_wait3A_49] : memref<8192x256xf32, #tpu.memory_space<hbm>> -> memref<8192x256xf32, #tpu.memory_space<hbm>>
    tpu.wait_indirect_dma semaphore(%arg10 : memref<!tpu.dma_semaphore, #tpu.memory_space<semaphore_mem>>) src(%dma_wait3A_50 : memref<8192x256xf32, #tpu.memory_space<hbm>>) dst(%arg8 : memref<128x256xf32, #tpu.memory_space<vmem>>)
    %mul3A_51 = arith.constant 512 : i32
    %mul3A_52 = arith.muli %add3A, %mul3A_51 : i32
    %add3A_53 = arith.constant 384 : i32
    %add3A_54 = arith.addi %mul3A_52, %add3A_53 : i32
    "tpu.region"() ({
      %run_scoped3A = tpu.sem_alloc : memref<!tpu.dma_semaphore, #tpu.memory_space<semaphore_mem>>
      %dma_start3A_55 = arith.constant 0 : i32
      %dma_start3A_56 = tpu.memref_slice %arg4[%add3A_54, %dma_start3A_55] : memref<16384x256xf32, #tpu.memory_space<hbm>> -> memref<128x256xf32, #tpu.memory_space<hbm>>
      %dma_start3A_57 = arith.constant 0 : i32
      %dma_start3A_58 = tpu.memref_slice %arg4[%add3A_54, %dma_start3A_57] : memref<16384x256xf32, #tpu.memory_space<hbm>> -> memref<128x256xf32, #tpu.memory_space<hbm>>
      tpu.enqueue_dma source(%arg8 : memref<128x256xf32, #tpu.memory_space<vmem>>) target(%dma_start3A_58 : memref<128x256xf32, #tpu.memory_space<hbm>>) target_semaphore(%run_scoped3A : memref<!tpu.dma_semaphore, #tpu.memory_space<semaphore_mem>>)
      %dma_wait3A_59 = arith.constant 0 : i32
      %dma_wait3A_60 = tpu.memref_slice %arg4[%add3A_54, %dma_wait3A_59] : memref<16384x256xf32, #tpu.memory_space<hbm>> -> memref<128x256xf32, #tpu.memory_space<hbm>>
      %dma_wait3A_61 = arith.constant 0 : i32
      %dma_wait3A_62 = tpu.memref_slice %arg4[%add3A_54, %dma_wait3A_61] : memref<16384x256xf32, #tpu.memory_space<hbm>> -> memref<128x256xf32, #tpu.memory_space<hbm>>
      tpu.wait_dma2 semaphore(%run_scoped3A : memref<!tpu.dma_semaphore, #tpu.memory_space<semaphore_mem>>) src(%arg8 : memref<128x256xf32, #tpu.memory_space<vmem>>) dst(%dma_wait3A_62 : memref<128x256xf32, #tpu.memory_space<hbm>>)
      tpu.yield
    }) : () -> ()
    return
  }
}

module attributes {stable_mosaic.version = 14 : i64} {
  func.func @_argmin_body(%arg0: i32, %arg1: memref<1024x256xf32, #tpu.memory_space<vmem>>, %arg2: memref<256x8192xf32, #tpu.memory_space<vmem>>, %arg3: memref<1024x1xf32, #tpu.memory_space<vmem>>, %arg4: memref<1x8192xf32, #tpu.memory_space<vmem>>, %arg5: memref<1x8192xf32, #tpu.memory_space<vmem>>, %arg6: memref<1024x1xi32, #tpu.memory_space<vmem>>) attributes {dimension_semantics = [#tpu.dimension_semantics<arbitrary>], iteration_bounds = array<i64: 16>, scalar_prefetch = 0 : i64, scratch_operands = 0 : i64, tpu.core_type = #tpu.core_type<tc>, window_params = [{transform_indices = @transform_0, window_bounds = array<i64: 1024, 256>}, {pipeline_mode = #tpu.pipeline_mode<synchronous>, transform_indices = @transform_1, window_bounds = array<i64: 256, 8192>}, {transform_indices = @transform_2, window_bounds = array<i64: 1024, 1>}, {pipeline_mode = #tpu.pipeline_mode<synchronous>, transform_indices = @transform_3, window_bounds = array<i64: 1, 8192>}, {pipeline_mode = #tpu.pipeline_mode<synchronous>, transform_indices = @transform_4, window_bounds = array<i64: 1, 8192>}, {transform_indices = @transform_5, window_bounds = array<i64: 1024, 1>}]} {
    %get3A = arith.constant 0 : index
    %get3A_0 = arith.constant 0 : index
    %get3A_1 = vector.load %arg1[%get3A, %get3A_0] : memref<1024x256xf32, #tpu.memory_space<vmem>>, vector<1024x256xf32>
    %get3A_2 = arith.constant 0 : index
    %get3A_3 = arith.constant 0 : index
    %get3A_4 = vector.load %arg2[%get3A_2, %get3A_3] : memref<256x8192xf32, #tpu.memory_space<vmem>>, vector<256x8192xf32>
    %dot_general3A = arith.constant dense<0.000000e+00> : vector<1024x8192xf32>
    %dot_general3A_5 = tpu.matmul %get3A_1, %get3A_4, %dot_general3A {dimension_numbers = #tpu.dot_dimension_numbers<[1], [0], [0], [1], [0, 0, 1, 1], [], []>, transpose_lhs_hint = false} : vector<1024x256xf32>, vector<256x8192xf32>, vector<1024x8192xf32> -> vector<1024x8192xf32>
    %get3A_6 = arith.constant 0 : index
    %get3A_7 = arith.constant 0 : index
    %get3A_8 = vector.load %arg3[%get3A_6, %get3A_7] : memref<1024x1xf32, #tpu.memory_space<vmem>>, vector<1024x1xf32>
    %get3A_9 = arith.constant 0 : index
    %get3A_10 = arith.constant 0 : index
    %get3A_11 = vector.load %arg4[%get3A_9, %get3A_10] : memref<1x8192xf32, #tpu.memory_space<vmem>>, vector<1x8192xf32>
    %add3A = vector.broadcast %get3A_8 : vector<1024x1xf32> to vector<1024x8192xf32>
    %add3A_12 = vector.broadcast %get3A_11 : vector<1x8192xf32> to vector<1024x8192xf32>
    %add3A_13 = arith.addf %add3A, %add3A_12 : vector<1024x8192xf32>
    %mul3A = arith.constant 2.000000e+00 : f32
    %mul3A_14 = vector.broadcast %mul3A : f32 to vector<1024x8192xf32>
    %mul3A_15 = arith.mulf %mul3A_14, %dot_general3A_5 : vector<1024x8192xf32>
    %sub3A = arith.subf %add3A_13, %mul3A_15 : vector<1024x8192xf32>
    %get3A_16 = arith.constant 0 : index
    %get3A_17 = arith.constant 0 : index
    %get3A_18 = vector.load %arg5[%get3A_16, %get3A_17] : memref<1x8192xf32, #tpu.memory_space<vmem>>, vector<1x8192xf32>
    %slice3A = vector.extract_strided_slice %sub3A {offsets = [0, 0], sizes = [1024, 2816], strides = [1, 1]} : vector<1024x8192xf32> to vector<1024x2816xf32>
    %reduce_min3A = arith.constant dense<0x7F800000> : vector<1024xf32>
    %reduce_min3A_19 = vector.multi_reduction <minimumf>, %slice3A, %reduce_min3A [1] : vector<1024x2816xf32> to vector<1024xf32>
    %broadcast_in_dim3A = vector.shape_cast %reduce_min3A_19 : vector<1024xf32> to vector<1024x1xf32>
    %eq3A = vector.broadcast %broadcast_in_dim3A : vector<1024x1xf32> to vector<1024x2816xf32>
    %eq3A_20 = arith.cmpf oeq, %slice3A, %eq3A : vector<1024x2816xf32>
    %slice3A_21 = vector.extract_strided_slice %get3A_18 {offsets = [0, 0], sizes = [1, 2816], strides = [1, 1]} : vector<1x8192xf32> to vector<1x2816xf32>
    %jit3A = arith.constant 8.192000e+03 : f32
    %broadcast_in_dim3A_22 = vector.shape_cast %slice3A_21 : vector<1x2816xf32> to vector<1x2816xf32>
    %broadcast_in_dim3A_23 = vector.broadcast %broadcast_in_dim3A_22 : vector<1x2816xf32> to vector<1024x2816xf32>
    %broadcast_in_dim3A_24 = vector.broadcast %jit3A : f32 to vector<1024x2816xf32>
    %select_n3A = arith.select %eq3A_20, %broadcast_in_dim3A_23, %broadcast_in_dim3A_24 : vector<1024x2816xi1>, vector<1024x2816xf32>
    %reduce_min3A_25 = arith.constant dense<0x7F800000> : vector<1024xf32>
    %reduce_min3A_26 = vector.multi_reduction <minimumf>, %select_n3A, %reduce_min3A_25 [1] : vector<1024x2816xf32> to vector<1024xf32>
    %broadcast_in_dim3A_27 = vector.shape_cast %reduce_min3A_26 : vector<1024xf32> to vector<1024x1xf32>
    %convert_element_type3A = arith.truncf %broadcast_in_dim3A : vector<1024x1xf32> to vector<1024x1xbf16>
    %convert_element_type3A_28 = arith.extf %convert_element_type3A : vector<1024x1xbf16> to vector<1024x1xf32>
    %slice3A_29 = vector.extract_strided_slice %sub3A {offsets = [0, 2816], sizes = [1024, 2816], strides = [1, 1]} : vector<1024x8192xf32> to vector<1024x2816xf32>
    %reduce_min3A_30 = arith.constant dense<0x7F800000> : vector<1024xf32>
    %reduce_min3A_31 = vector.multi_reduction <minimumf>, %slice3A_29, %reduce_min3A_30 [1] : vector<1024x2816xf32> to vector<1024xf32>
    %broadcast_in_dim3A_32 = vector.shape_cast %reduce_min3A_31 : vector<1024xf32> to vector<1024x1xf32>
    %eq3A_33 = vector.broadcast %broadcast_in_dim3A_32 : vector<1024x1xf32> to vector<1024x2816xf32>
    %eq3A_34 = arith.cmpf oeq, %slice3A_29, %eq3A_33 : vector<1024x2816xf32>
    %slice3A_35 = vector.extract_strided_slice %get3A_18 {offsets = [0, 2816], sizes = [1, 2816], strides = [1, 1]} : vector<1x8192xf32> to vector<1x2816xf32>
    %jit3A_36 = arith.constant 8.192000e+03 : f32
    %broadcast_in_dim3A_37 = vector.shape_cast %slice3A_35 : vector<1x2816xf32> to vector<1x2816xf32>
    %broadcast_in_dim3A_38 = vector.broadcast %broadcast_in_dim3A_37 : vector<1x2816xf32> to vector<1024x2816xf32>
    %broadcast_in_dim3A_39 = vector.broadcast %jit3A_36 : f32 to vector<1024x2816xf32>
    %select_n3A_40 = arith.select %eq3A_34, %broadcast_in_dim3A_38, %broadcast_in_dim3A_39 : vector<1024x2816xi1>, vector<1024x2816xf32>
    %reduce_min3A_41 = arith.constant dense<0x7F800000> : vector<1024xf32>
    %reduce_min3A_42 = vector.multi_reduction <minimumf>, %select_n3A_40, %reduce_min3A_41 [1] : vector<1024x2816xf32> to vector<1024xf32>
    %broadcast_in_dim3A_43 = vector.shape_cast %reduce_min3A_42 : vector<1024xf32> to vector<1024x1xf32>
    %lt3A = arith.cmpf olt, %broadcast_in_dim3A_32, %convert_element_type3A_28 : vector<1024x1xf32>
    %select_n3A_44 = arith.select %lt3A, %broadcast_in_dim3A_43, %broadcast_in_dim3A_27 : vector<1024x1xi1>, vector<1024x1xf32>
    %select_n3A_45 = arith.select %lt3A, %broadcast_in_dim3A_32, %convert_element_type3A_28 : vector<1024x1xi1>, vector<1024x1xf32>
    %convert_element_type3A_46 = arith.truncf %select_n3A_45 : vector<1024x1xf32> to vector<1024x1xbf16>
    %convert_element_type3A_47 = arith.extf %convert_element_type3A_46 : vector<1024x1xbf16> to vector<1024x1xf32>
    %slice3A_48 = vector.extract_strided_slice %sub3A {offsets = [0, 5632], sizes = [1024, 2560], strides = [1, 1]} : vector<1024x8192xf32> to vector<1024x2560xf32>
    %reduce_min3A_49 = arith.constant dense<0x7F800000> : vector<1024xf32>
    %reduce_min3A_50 = vector.multi_reduction <minimumf>, %slice3A_48, %reduce_min3A_49 [1] : vector<1024x2560xf32> to vector<1024xf32>
    %broadcast_in_dim3A_51 = vector.shape_cast %reduce_min3A_50 : vector<1024xf32> to vector<1024x1xf32>
    %eq3A_52 = vector.broadcast %broadcast_in_dim3A_51 : vector<1024x1xf32> to vector<1024x2560xf32>
    %eq3A_53 = arith.cmpf oeq, %slice3A_48, %eq3A_52 : vector<1024x2560xf32>
    %slice3A_54 = vector.extract_strided_slice %get3A_18 {offsets = [0, 5632], sizes = [1, 2560], strides = [1, 1]} : vector<1x8192xf32> to vector<1x2560xf32>
    %jit3A_55 = arith.constant 8.192000e+03 : f32
    %broadcast_in_dim3A_56 = vector.shape_cast %slice3A_54 : vector<1x2560xf32> to vector<1x2560xf32>
    %broadcast_in_dim3A_57 = vector.broadcast %broadcast_in_dim3A_56 : vector<1x2560xf32> to vector<1024x2560xf32>
    %broadcast_in_dim3A_58 = vector.broadcast %jit3A_55 : f32 to vector<1024x2560xf32>
    %select_n3A_59 = arith.select %eq3A_53, %broadcast_in_dim3A_57, %broadcast_in_dim3A_58 : vector<1024x2560xi1>, vector<1024x2560xf32>
    %reduce_min3A_60 = arith.constant dense<0x7F800000> : vector<1024xf32>
    %reduce_min3A_61 = vector.multi_reduction <minimumf>, %select_n3A_59, %reduce_min3A_60 [1] : vector<1024x2560xf32> to vector<1024xf32>
    %broadcast_in_dim3A_62 = vector.shape_cast %reduce_min3A_61 : vector<1024xf32> to vector<1024x1xf32>
    %lt3A_63 = arith.cmpf olt, %broadcast_in_dim3A_51, %convert_element_type3A_47 : vector<1024x1xf32>
    %select_n3A_64 = arith.select %lt3A_63, %broadcast_in_dim3A_62, %select_n3A_44 : vector<1024x1xi1>, vector<1024x1xf32>
    %convert_element_type3A_65 = arith.fptosi %select_n3A_64 : vector<1024x1xf32> to vector<1024x1xi32>
    %swap3A = arith.constant 0 : index
    %swap3A_66 = arith.constant 0 : index
    %swap3A_67 = vector.load %arg6[%swap3A, %swap3A_66] : memref<1024x1xi32, #tpu.memory_space<vmem>>, vector<1024x1xi32>
    tpu.vector_store %arg6[%swap3A, %swap3A_66], %convert_element_type3A_65 {strides = array<i32>} : memref<1024x1xi32, #tpu.memory_space<vmem>>, vector<1024x1xi32>,
    return
  }
  func.func @transform_0(%arg0: i32) -> (i32, i32) {
    %c0_i32 = arith.constant 0 : i32
    %c0_i32_0 = arith.constant 0 : i32
    return %arg0, %c0_i32 : i32, i32
  }
  func.func @transform_1(%arg0: i32) -> (i32, i32) {
    %c0_i32 = arith.constant 0 : i32
    %c0_i32_0 = arith.constant 0 : i32
    %c0_i32_1 = arith.constant 0 : i32
    return %c0_i32, %c0_i32_0 : i32, i32
  }
  func.func @transform_2(%arg0: i32) -> (i32, i32) {
    %c0_i32 = arith.constant 0 : i32
    %c0_i32_0 = arith.constant 0 : i32
    return %arg0, %c0_i32 : i32, i32
  }
  func.func @transform_3(%arg0: i32) -> (i32, i32) {
    %c0_i32 = arith.constant 0 : i32
    %c0_i32_0 = arith.constant 0 : i32
    %c0_i32_1 = arith.constant 0 : i32
    return %c0_i32, %c0_i32_0 : i32, i32
  }
  func.func @transform_4(%arg0: i32) -> (i32, i32) {
    %c0_i32 = arith.constant 0 : i32
    %c0_i32_0 = arith.constant 0 : i32
    %c0_i32_1 = arith.constant 0 : i32
    return %c0_i32, %c0_i32_0 : i32, i32
  }
  func.func @transform_5(%arg0: i32) -> (i32, i32) {
    %c0_i32 = arith.constant 0 : i32
    %c0_i32_0 = arith.constant 0 : i32
    return %arg0, %c0_i32 : i32, i32
  }
}

</mosaic_0001>

<sc_bundles>
// kernel: kernel.4.cloned.1.call-start
scs
__scs_entry_jumppad:
0x0: {  	(pc) =	sbr.rel $0x88, $3  }
0x1: {  	(tag) =	ssettag $0x0;
	lr =	simm.s32 $0x1  }
0x2: {  	[smem:$0x3F9F] =	sst lr;
	_ =	strace $0xD0000000  }
0x3: {  	_ = 	snop  }
0x4: {  	_ = 	snop  }
0x5: {  	_ = 	snop  }
0x6: {  	_ = 	snop  }
0x7: {  	_ = 	snop  }
__scs_overlays_trampoline_lowered:
0x8: {  	[smem:$0x3FAE] =	sst s0  }
0x9: {  	[smem:$0x3FAF] =	sst s1  }
0xa: {  	[smem:$0x3FB0] =	sst s2  }
0xb: {  	[smem:$0x3FB1] =	sst s3  }
0xc: {  	[smem:$0x3FB2] =	sst s4  }
0xd: {  	[smem:$0x3FB3] =	sst s5  }
0xe: {  	[smem:$0x3FB4] =	sst s6  }
0xf: {  	[smem:$0x3FB5] =	sst s7  }
0x10: {  	[smem:$0x3FB6] =	sst s8  }
0x11: {  	[smem:$0x3FB7] =	sst s9;
	s0 =	simm.s32 @!p0 $0x0  }
0x12: {  	s1 =	sld [smem:$0x3F9D];
	s0 =	simm.s32 @p0 $0x1  }
0x13: {  	[smem:$0x3FB8] =	sst s0;
	s0 =	simm.s32 @!p1 $0x0  }
0x14: {  	s2 =	sld [smem:$0x3F9C];
	s0 =	simm.s32 @p1 $0x1  }
0x15: {  	[smem:$0x3FB9] =	sst s0;
	s0 =	simm.s32 @!p2 $0x0  }
0x16: {  	s3 =	sld [smem:$0x3FDB];
	s0 =	simm.s32 @p2 $0x1  }
0x17: {  	s4 =	simm.s32 $0x1BF5;
	[smem:$0x3FBB] =	sst s0  }
0x18: {  	s0 =	sld [smem:$0x3F9E];
	_ =	swait.ge [sflag:s4], $0x0  }
0x19: {  	s7 =	sld [smem:$0x3F9F]  }
0x1a: {  	s8 =	sadd.s32 $0xFFFFE003, lr  }
0x1b: {  	s9 =	sadd.s32 $0xFFFFFEF7, lr;
	s5 =	simm.s32 $0xFFFFFFFF;
	p2 =	slt.u32 s8, $0xFFFFF086  }
0x1c: {  	p1 =	slt.u32 s9, $0xF7A;
	s5 =	simm.s32 @!p2 $0x0  }
0x1d: {  	s5 =	simm.s32 @p1 $0x1;
	p0 =	seq.s32 s7, s2  }
0x1e: {  	s7 =	smul.u32 @!p0 $0xF7A, s2;
	p2 =	seq.s32 @!p0 s5, $0x0  }
0x1f: {  	s9 =	smul.u32 $0xF7A, s1;
	s8 =	simm.s32 @!p0 $0x1BF5;
	p2 =	por !p2, p0  }
0x20: {  	[sflag:s8] =	ssyncset.s32 @!p0 $0xFFFFF086;
	s6 =	sadd.s32 @!p0 s3, s7;
	s7 =	simm.s32 @!p0 $0x108  }
0x21: {  	s3 =	sadd.s32 s3, s9;
	s6 =	sadd.s32 @!p0 $0x88, s6;
	s7 =	simm.s32 @p2 $0x1082  }
0x22: {  	[simem:s7], [sflag:s8] =	dma.local @!p0 [hbm:s6], $0xF7A  }
0x23: {  	s9 =	sor.u32 $0xD0000000, s2;
	s6 =	simm.s32 $0x108;
	_ =	swait.ge @!p0 [sflag:s8], $0x0  }
0x24: {  	s3 =	sadd.s32 $0x88, s3;
	s6 =	simm.s32 @!p1 $0x1082;
	[sflag:s4] =	ssyncset.s32 $0xFFFFF086  }
0x25: {  	[simem:s6], [sflag:s4] =	dma.local [hbm:s3], $0xF7A  }
0x26: {  	[smem:$0x3F9F] =	sst s1;
	(tag) =	ssettag s2;
	_ =	strace s9  }
0x27: {  	s1 =	sld [smem:$0x3FAF]  }
0x28: {  	s2 =	sld [smem:$0x3FB0]  }
0x29: {  	s4 =	sld [smem:$0x3FB2]  }
0x2a: {  	p0 =	seq.s32 s5, $0x0;
	s5 =	sld [smem:$0x3FB3]  }
0x2b: {  	s6 =	sld [smem:$0x3FB4]  }
0x2c: {  	s7 =	sld [smem:$0x3FB5]  }
0x2d: {  	s3 =	simm.s32 $0x108;
	s8 =	sld [smem:$0x3FB6]  }
0x2e: {  	s3 =	simm.s32 @!p0 $0x1082;
	s9 =	sld [smem:$0x3FB7]  }
0x2f: {  	lr =	sadd.s32 s0, s3;
	s0 =	sld [smem:$0x3FAE]  }
0x30: {  	s3 =	sld [smem:$0x3FB1]  }
0x31: {  	[smem:$0x3FBA] =	sst s10  }
0x32: {  	s10 =	sld [smem:$0x3FB8];
	_ =	sdelay $0x3  }
0x33: {  	p0 =	seq.s32 s10, $0x1;
	s10 =	sld [smem:$0x3FBA];
	_ =	sdelay $0x3  }
0x34: {  	[smem:$0x3FBA] =	sst s10  }
0x35: {  	s10 =	sld [smem:$0x3FB9];
	_ =	sdelay $0x3  }
0x36: {  	p1 =	seq.s32 s10, $0x1;
	s10 =	sld [smem:$0x3FBA];
	_ =	sdelay $0x3  }
0x37: {  	[smem:$0x3FBA] =	sst s10  }
0x38: {  	s10 =	sld [smem:$0x3FBB]  }
0x39: {  	_ = 	snop;
	(pc) =	sbr.ind lr, $3  }
0x3a: {  	_ = 	snop  }
0x3b: {  	_ = 	snop  }
0x3c: {  	p2 =	seq.s32 s10, $0x1;
	s10 =	sld [smem:$0x3FBA]  }
0x3d: {  	_ =	shalt  }
0x3e: {  	_ =	shalt  }
0x3f: {  	_ =	shalt  }
0x40: {  	_ =	shalt  }
0x41: {  	_ =	shalt  }
0x42: {  	_ =	shalt  }
0x43: {  	_ =	shalt  }
0x44: {  	_ =	shalt  }
0x45: {  	_ =	shalt  }
0x46: {  	_ =	shalt  }
0x47: {  	_ =	shalt  }
0x48: {  	_ =	shalt  }
0x49: {  	_ =	shalt  }
0x4a: {  	_ =	shalt  }
0x4b: {  	_ =	shalt  }
0x4c: {  	_ =	shalt  }
0x4d: {  	_ =	shalt  }
0x4e: {  	_ =	shalt  }
0x4f: {  	_ =	shalt  }
0x50: {  	_ =	shalt  }
0x51: {  	_ =	shalt  }
0x52: {  	_ =	shalt  }
0x53: {  	_ =	shalt  }
0x54: {  	_ =	shalt  }
0x55: {  	_ =	shalt  }
0x56: {  	_ =	shalt  }
0x57: {  	_ =	shalt  }
0x58: {  	_ =	shalt  }
0x59: {  	_ =	shalt  }
0x5a: {  	_ =	shalt  }
0x5b: {  	_ =	shalt  }
0x5c: {  	_ =	shalt  }
0x5d: {  	_ =	shalt  }
0x5e: {  	_ =	shalt  }
0x5f: {  	_ =	shalt  }
0x60: {  	_ =	shalt  }
0x61: {  	_ =	shalt  }
0x62: {  	_ =	shalt  }
0x63: {  	_ =	shalt  }
0x64: {  	_ =	shalt  }
0x65: {  	_ =	shalt  }
0x66: {  	_ =	shalt  }
0x67: {  	_ =	shalt  }
0x68: {  	_ =	shalt  }
0x69: {  	_ =	shalt  }
0x6a: {  	_ =	shalt  }
0x6b: {  	_ =	shalt  }
0x6c: {  	_ =	shalt  }
0x6d: {  	_ =	shalt  }
0x6e: {  	_ =	shalt  }
0x6f: {  	_ =	shalt  }
0x70: {  	_ =	shalt  }
0x71: {  	_ =	shalt  }
0x72: {  	_ =	shalt  }
0x73: {  	_ =	shalt  }
0x74: {  	_ =	shalt  }
0x75: {  	_ =	shalt  }
0x76: {  	_ =	shalt  }
0x77: {  	_ =	shalt  }
0x78: {  	_ =	shalt  }
0x79: {  	_ =	shalt  }
0x7a: {  	_ =	shalt  }
0x7b: {  	_ =	shalt  }
0x7c: {  	_ =	shalt  }
0x7d: {  	_ =	shalt  }
0x7e: {  	_ =	shalt  }
0x7f: {  	_ =	shalt  }
0x80: {  	_ =	shalt  }
0x81: {  	_ =	shalt  }
0x82: {  	_ =	shalt  }
0x83: {  	_ =	shalt  }
0x84: {  	_ =	shalt  }
0x85: {  	_ =	shalt  }
0x86: {  	_ =	shalt  }
0x87: {  	_ =	shalt  }
.Lfunc_end0:
.L_simem_size_0:
called_computation_lowered:
.L_overlay_start_0:
0x88: {  	s2 =	sld [smem:$0x3FD9]  }
0x89: {  	s3 =	sld [smem:$0x3FFE];
	_ =	sdelay $0x1  }
0x8a: {  	s1 =	srdreg.scid  }
0x8b: {  	s0 =	sand.u32 $0x1, s1  }
0x8c: {  	s17 =	sshll.u32 s0, $0xA;
	s2 =	sadd.s32 s3, s2  }
0x8d: {  	s2 =	sadd.s32 s2, s17  }
0x8e: {  	[smem:$0x3FC6] =	sst s2  }
0x8f: {  	_ = 	snop  }
0x90: {  	s2 =	sld [smem:$0x3FD0];
	(tm) =	ssettm $0x1  }
0x91: {  	s18 =	sld [smem:$0x3FFB];
	_ =	sdelay $0x3  }
0x92: {  	_ =	strace s18  }
0x93: {  	s3 =	sld [smem:$0x3FFC];
	_ =	sdelay $0x3  }
0x94: {  	_ =	strace s3  }
0x95: {  	s3 =	sld [smem:$0x3FFD];
	_ =	sdelay $0x3  }
0x96: {  	_ =	strace s3  }
0x97: {  	_ =	strace $0x8FFFFFFF  }
0x98: {  	s19 =	sld [smem:$0x3FDB];
	_ =	sdelay $0x1  }
0x99: {  	s4 =	simm.s32 $_scs_section_size  }
0x9a: {  	s5 =	simm.s32 $_size__tile_overlayer_lowered;
	s6 =	simm.s32 $_tile_overlayer_lowered  }
0x9b: {  	s22 =	simm.s32 $0x1BFF;
	s21 =	sshll.u32 s6, $0x1;
	s3 =	sadd.s32 s4, s19  }
0x9c: {  	s7 =	simm.s32 $0x0;
	s20 =	sshll.u32 s5, $0x1;
	s5 =	sadd.s32 s21, s3  }
0x9d: {  	[timem:s7], [sflag:s22] =	dma.local [hbm:s5], s20  }
0x9e: {  	_ =	swait.ge [sflag:s22], s20  }
0x9f: {  	s4 =	ssub.s32 $0x0, s20;
	[sflag:s22] =	ssyncset.done $0x0  }
0xa0: {  	[sflag:s22] =	ssyncadd.s32 s4;
	_ =	sdelay $0x1  }
0xa1: {  	s23 =	simm.s32 $0x1B8B  }
0xa2: {  	_ =	swait.ge [sflag:s23], $0x1  }
0xa3: {  	[sflag:s23] =	ssyncset.done $0x0  }
0xa4: {  	s25 =	simm.s32 $0x1B8E;
	s24 =	sld [smem:$0x3FFE];
	[sflag:s23] =	ssyncadd.s32 $0xFFFFFFFF  }
0xa5: {  	s26 =	simm.s32 $execute0_lowered;
	[smem:$0x3FD2] =	sst s25  }
0xa6: {  	s5 =	sshll.u32 s26, $0x1;
	_ =	strace $0x80000046;
	[dreg:$0x1] =	wrdreg $0xFFFFFFFF  }
0xa7: {  	s28 =	simm.s32 $_size_execute0_lowered;
	s3 =	sadd.s32 s3, s5;
	[dreg:$0x0] =	wrdreg $0x0  }
0xa8: {  	s5 =	sshll.u32 s28, $0x1;
	[dreg:$0x2] =	wrdreg s3  }
0xa9: {  	[dreg:$0x3] =	wrdreg s5  }
0xaa: {  	[dreg:$0x4] =	wrdreg $0xC0  }
0xab: {  	_ =	task [dreg:s7], $0x5FFFF  }
0xac: {  	[dreg:$0x1] =	wrdreg $0xFFFFFFFF  }
0xad: {  	[dreg:$0x0] =	wrdreg $0x60  }
0xae: {  	[dreg:$0x2] =	wrdreg s24  }
0xaf: {  	[dreg:$0x3] =	wrdreg s2  }
0xb0: {  	[dreg:$0x4] =	wrdreg $0x9  }
0xb1: {  	_ =	task.clear_ibuf [dreg:s7], $0x5FFFF;
	_ =	strace $0x90000046  }
0xb2: {  	s29 =	simm.s32 $0x9;
	_ =	strace $0x80000048  }
0xb3: {  	_ =	swait.ge [sflag:s29], $0x1  }
0xb4: {  	[sflag:s29] =	ssyncadd.s32 $0xFFFFFFFF  }
0xb5: {  	_ =	strace $0x90000048  }
0xb6: {  	_ =	sfence  }
0xb7: {  	s30 =	sld [smem:$0x0];
	_ =	sdelay $0x2  }
0xb8: {  	s31 =	sshll.u32 s1, $0xD;
	s1 =	sshrl.u32 s1, $0x2  }
0xb9: {  	s3 =	sand.u32 $0x4000, s31;
	s1 =	sadd.s32 s1, s30  }
0xba: {  	s0 =	sor.u32 s3, s0;
	s1 =	sshll.u32 s1, $0x11  }
0xbb: {  	s0 =	sor.u32 s1, s0  }
0xbc: {  	s0 =	sadd.s32 $0x8F2B, s0  }
0xbd: {  	[sflag:s0] =	ssyncadd.remote.s32 $0x1  }
0xbe: {  	_ =	sfence.sel $0xFFFF  }
0xbf: {  	[dreg:$0x0] =	wrdreg $0xFFFFFFFF;
	(pc) =	sbr.abs _section_cstart, $3  }
0xc0: {  	[dreg:$0x1] =	wrdreg $0xFFFFFFFF  }
0xc1: {  	_ =	task.clear_ibuf [dreg:s7], $0x2FFFF;
	_ =	strace $0x9FFFFFFF  }
0xc2: {  	(tm) =	ssettm $0x7FFFFFFF  }
0xc3: {  	_ =	shalt  }
tec
execute0_lowered:
.L_overlay_start_1:
0x0: {  	(tag) =	ssettag $0x1  }
0x1: {  	s1 =	rddreg [dreg:$0x0]  }
0x2: {  	s0 =	rddreg [dreg:$0x1];
	s2 =	srdreg.scid;
	s3 =	simm.s32 $0x0  }
0x3: {  	s4 =	stileid.u32;
	s14 =	simm.s32 $0x2;
	s16 =	simm.s32 $0x900  }
0x4: {  	s28 =	simm.s32 $0x5900;
	s29 =	simm.s32 $0x6100;
	s30 =	simm.s32 $0x6900  }
0x5: {  	s31 =	simm.s32 $0x7100;
	s10 =	simm.s32 $0xA100;
	s11 =	simm.s32 $0xA900  }
0x6: {  	s12 =	simm.s32 $0xB100;
	s2 =	sand.u32 $0x1, s2;
	[smem:$0x7FF] =	sst s3  }
0x7: {  	s4 =	sshll.u32 s4, $0xA;
	s17 =	sadd.s32 $0x40000, s1;
	s5 =	sshll.u32 s2, $0x9  }
0x8: {  	_ =	strace $0x80000047;
	s2 =	ssub.s32 $0x2, s2;
	s4 =	sor.u32 s5, s4  }
0x9: {  	s9 =	sshrl.u32 s2, $0x1;
	s6 =	sshrl.u32 s4, $0x3;
	s7 =	sor.u32 $0x80, s4  }
0xa: {  	s19 =	sshll.u32 s4, $0x5;
	s21 =	sor.u32 $0x100, s4;
	s4 =	sor.u32 $0x180, s4  }
0xb: {  	s2 =	ssub.s32 s2, s9;
	s9 =	simm.s32 $0x9900;
	s6 =	sadd.s32 s17, s6  }
0xc: {  	s8 =	sshrl.u32 s7, $0x3;
	s20 =	sadd.s32 s0, s19;
	s22 =	sshrl.u32 s21, $0x3  }
0xd: {  	s7 =	sshll.u32 s7, $0x5;
	s24 =	sshrl.u32 s4, $0x3;
	s25 =	sshll.u32 s21, $0x5  }
0xe: {  	s4 =	sshll.u32 s4, $0x5;
	s19 =	simm.s32 $0x2100;
	[dreg:$0x3] =	wrdreg s6  }
0xf: {  	s21 =	simm.s32 $0x3100;
	s18 =	sadd.s32 s17, s8;
	[dreg:$0x5] =	wrdreg s20  }
0x10: {  	s6 =	sadd.s32 s17, s22;
	s23 =	sadd.s32 s0, s7;
	s5 =	sadd.s32 s17, s24  }
0x11: {  	s26 =	sadd.s32 s0, s25;
	s0 =	sadd.s32 s0, s4;
	[dreg:$0x4] =	wrdreg s18  }
0x12: {  	s4 =	smax.u32 s2, $0x1;
	s17 =	simm.s32 $0x1100;
	[dreg:$0x6] =	wrdreg s6  }
0x13: {  	s20 =	simm.s32 $0x2900;
	s22 =	simm.s32 $0x3900;
	[dreg:$0x7] =	wrdreg s23  }
0x14: {  	s24 =	simm.s32 $0x4100;
	s25 =	simm.s32 $0x4900;
	[dreg:$0x8] =	wrdreg s5  }
0x15: {  	v2 =	vlaneseq.u32;
	s7 =	simm.s32 $0x8900;
	s8 =	simm.s32 $0x9100;
	[dreg:$0x9] =	wrdreg s26  }
0x16: {  	vm0 =	vmmov $0xffff;
	v1 =	vshrl.u32 v2, $0x3;
	[dreg:$0xa] =	wrdreg s0;
	s5 =	simm.s32 $0x3;
	s6 =	simm.s32 $0x1  }
0x17: {  	v0 =	vand.u32 $0x7, v2;
	v2 =	vor.u32 $0x8, v2;
	v1 =	vmul.u32 $0x8, v1;
	s18 =	simm.s32 $0x1900;
	s26 =	simm.s32 $0x5100;
	s23 =	simm.s32 $0x80  }
.LBB2_1:
0x18: {  	s15 =	rddreg [dreg:$0x3]  }
0x19: {  	[tilespmem:s3], [sflag:$0x3] =	stream.linear.gather [hbm4b:s15+s3], $0x80, $0x38;
	[tilespmem:$0x10100] =	vst v63  }
0x1a: {  	_ =	swait.ge [sflag:s5], $0x80  }
0x1b: {  	[sflag:s5] =	ssyncset.done $0x0  }
0x1c: {  	[sflag:s5] =	ssyncadd.s32 $0xFFFFFF80  }
0x1d: {  	v3 =	vld [tilespmem:$0x0];
	_ =	sdelay $0x4  }
0x1e: {  	v4 =	vshll.u32 v3, $0x1  }
0x1f: {  	v3 =	vand.u32 $0x7, v3;
	v4 =	vand.u32 $0xFFFFFFF0, v4  }
0x20: {  	v3 =	vor.u32 v3, v4  }
0x21: {  	v4 =	vperm.xlane v3, v0;
	_ =	sdelay $0x1  }
0x22: {  	v3 =	vperm.xlane v3, v2;
	v4 =	vadd.s32 v1, v4;
	_ =	sdelay $0x1  }
0x23: {  	v3 =	vadd.s32 v1, v3;
	_ =	sdelay $0x1  }
0x24: {  	s0 =	simm.s32 $0x100  }
0x25: {  	[tilespmem:s0], [sflag:$0x1] =	stream.indirect_vreg.gather [hbm4b:s1+s3], $0x80, v4, vm0, $0xb8;
	[tilespmem:$0x10100] =	vst v63  }
0x26: {  	_ = 	snop  }
0x27: {  	[tilespmem:s16], [sflag:$0x1] =	stream.indirect_vreg.gather [hbm4b:s1+s3], $0x80, v3, vm0, $0xb8;
	[tilespmem:$0x10100] =	vst v63  }
0x28: {  	v3 =	vld [tilespmem:$0x10];
	_ =	sdelay $0x4  }
0x29: {  	v33 =	vshll.u32 v3, $0x1  }
0x2a: {  	v3 =	vand.u32 $0x7, v3;
	v4 =	vand.u32 $0xFFFFFFF0, v33  }
0x2b: {  	v3 =	vor.u32 v3, v4  }
0x2c: {  	v4 =	vperm.xlane v3, v0;
	_ =	sdelay $0x1  }
0x2d: {  	v3 =	vperm.xlane v3, v2;
	v4 =	vadd.s32 v1, v4;
	_ =	sdelay $0x1  }
0x2e: {  	v3 =	vadd.s32 v1, v3;
	_ =	sdelay $0x2  }
0x2f: {  	[tilespmem:s17], [sflag:$0x1] =	stream.indirect_vreg.gather [hbm4b:s1+s3], $0x80, v4, vm0, $0xb8;
	[tilespmem:$0x10100] =	vst v63  }
0x30: {  	_ = 	snop  }
0x31: {  	[tilespmem:s18], [sflag:$0x1] =	stream.indirect_vreg.gather [hbm4b:s1+s3], $0x80, v3, vm0, $0xb8;
	[tilespmem:$0x10100] =	vst v63  }
0x32: {  	v3 =	vld [tilespmem:$0x20];
	_ =	sdelay $0x4  }
0x33: {  	v34 =	vshll.u32 v3, $0x1  }
0x34: {  	v3 =	vand.u32 $0x7, v3;
	v4 =	vand.u32 $0xFFFFFFF0, v34  }
0x35: {  	v3 =	vor.u32 v3, v4  }
0x36: {  	v4 =	vperm.xlane v3, v0;
	_ =	sdelay $0x1  }
0x37: {  	v3 =	vperm.xlane v3, v2;
	v4 =	vadd.s32 v1, v4;
	_ =	sdelay $0x1  }
0x38: {  	v3 =	vadd.s32 v1, v3;
	_ =	sdelay $0x2  }
0x39: {  	[tilespmem:s19], [sflag:$0x1] =	stream.indirect_vreg.gather [hbm4b:s1+s3], $0x80, v4, vm0, $0xb8;
	[tilespmem:$0x10100] =	vst v63  }
0x3a: {  	_ = 	snop  }
0x3b: {  	[tilespmem:s20], [sflag:$0x1] =	stream.indirect_vreg.gather [hbm4b:s1+s3], $0x80, v3, vm0, $0xb8;
	[tilespmem:$0x10100] =	vst v63  }
0x3c: {  	v3 =	vld [tilespmem:$0x30];
	_ =	sdelay $0x4  }
0x3d: {  	v35 =	vshll.u32 v3, $0x1  }
0x3e: {  	v3 =	vand.u32 $0x7, v3;
	v4 =	vand.u32 $0xFFFFFFF0, v35  }
0x3f: {  	v3 =	vor.u32 v3, v4  }
0x40: {  	v4 =	vperm.xlane v3, v0;
	_ =	sdelay $0x1  }
0x41: {  	v3 =	vperm.xlane v3, v2;
	v4 =	vadd.s32 v1, v4;
	_ =	sdelay $0x1  }
0x42: {  	v3 =	vadd.s32 v1, v3;
	_ =	sdelay $0x2  }
0x43: {  	[tilespmem:s21], [sflag:$0x1] =	stream.indirect_vreg.gather [hbm4b:s1+s3], $0x80, v4, vm0, $0xb8;
	[tilespmem:$0x10100] =	vst v63  }
0x44: {  	_ = 	snop  }
0x45: {  	[tilespmem:s22], [sflag:$0x1] =	stream.indirect_vreg.gather [hbm4b:s1+s3], $0x80, v3, vm0, $0xb8;
	[tilespmem:$0x10100] =	vst v63  }
0x46: {  	v3 =	vld [tilespmem:$0x40];
	_ =	sdelay $0x4  }
0x47: {  	v36 =	vshll.u32 v3, $0x1  }
0x48: {  	v3 =	vand.u32 $0x7, v3;
	v4 =	vand.u32 $0xFFFFFFF0, v36  }
0x49: {  	v3 =	vor.u32 v3, v4  }
0x4a: {  	v4 =	vperm.xlane v3, v0;
	_ =	sdelay $0x1  }
0x4b: {  	v3 =	vperm.xlane v3, v2;
	v4 =	vadd.s32 v1, v4;
	_ =	sdelay $0x1  }
0x4c: {  	v3 =	vadd.s32 v1, v3;
	_ =	sdelay $0x2  }
0x4d: {  	[tilespmem:s24], [sflag:$0x1] =	stream.indirect_vreg.gather [hbm4b:s1+s3], $0x80, v4, vm0, $0xb8;
	[tilespmem:$0x10100] =	vst v63  }
0x4e: {  	_ = 	snop  }
0x4f: {  	[tilespmem:s25], [sflag:$0x1] =	stream.indirect_vreg.gather [hbm4b:s1+s3], $0x80, v3, vm0, $0xb8;
	[tilespmem:$0x10100] =	vst v63  }
0x50: {  	v3 =	vld [tilespmem:$0x50];
	_ =	sdelay $0x4  }
0x51: {  	v37 =	vshll.u32 v3, $0x1  }
0x52: {  	v3 =	vand.u32 $0x7, v3;
	v4 =	vand.u32 $0xFFFFFFF0, v37  }
0x53: {  	v3 =	vor.u32 v3, v4  }
0x54: {  	v4 =	vperm.xlane v3, v0;
	_ =	sdelay $0x1  }
0x55: {  	v3 =	vperm.xlane v3, v2;
	v4 =	vadd.s32 v1, v4;
	_ =	sdelay $0x1  }
0x56: {  	v3 =	vadd.s32 v1, v3;
	_ =	sdelay $0x2  }
0x57: {  	[tilespmem:s26], [sflag:$0x1] =	stream.indirect_vreg.gather [hbm4b:s1+s3], $0x80, v4, vm0, $0xb8;
	[tilespmem:$0x10100] =	vst v63  }
0x58: {  	_ = 	snop  }
0x59: {  	[tilespmem:s28], [sflag:$0x1] =	stream.indirect_vreg.gather [hbm4b:s1+s3], $0x80, v3, vm0, $0xb8;
	[tilespmem:$0x10100] =	vst v63  }
0x5a: {  	v3 =	vld [tilespmem:$0x60];
	_ =	sdelay $0x4  }
0x5b: {  	v38 =	vshll.u32 v3, $0x1  }
0x5c: {  	v3 =	vand.u32 $0x7, v3;
	v4 =	vand.u32 $0xFFFFFFF0, v38  }
0x5d: {  	v3 =	vor.u32 v3, v4  }
0x5e: {  	v4 =	vperm.xlane v3, v0;
	_ =	sdelay $0x1  }
0x5f: {  	v3 =	vperm.xlane v3, v2;
	v4 =	vadd.s32 v1, v4;
	_ =	sdelay $0x1  }
0x60: {  	v3 =	vadd.s32 v1, v3;
	_ =	sdelay $0x2  }
0x61: {  	[tilespmem:s29], [sflag:$0x1] =	stream.indirect_vreg.gather [hbm4b:s1+s3], $0x80, v4, vm0, $0xb8;
	[tilespmem:$0x10100] =	vst v63  }
0x62: {  	_ = 	snop  }
0x63: {  	[tilespmem:s30], [sflag:$0x1] =	stream.indirect_vreg.gather [hbm4b:s1+s3], $0x80, v3, vm0, $0xb8;
	[tilespmem:$0x10100] =	vst v63  }
0x64: {  	v3 =	vld [tilespmem:$0x70];
	_ =	sdelay $0x4  }
0x65: {  	v39 =	vshll.u32 v3, $0x1  }
0x66: {  	v3 =	vand.u32 $0x7, v3;
	v4 =	vand.u32 $0xFFFFFFF0, v39  }
0x67: {  	v3 =	vor.u32 v3, v4  }
0x68: {  	v4 =	vperm.xlane v3, v0;
	_ =	sdelay $0x1  }
0x69: {  	v3 =	vperm.xlane v3, v2;
	v4 =	vadd.s32 v1, v4;
	_ =	sdelay $0x1  }
0x6a: {  	v3 =	vadd.s32 v1, v3;
	_ =	sdelay $0x2  }
0x6b: {  	[tilespmem:s31], [sflag:$0x1] =	stream.indirect_vreg.gather [hbm4b:s1+s3], $0x80, v4, vm0, $0xb8;
	[tilespmem:$0x10100] =	vst v63  }
0x6c: {  	s2 =	simm.s32 $0x7900  }
0x6d: {  	[tilespmem:s2], [sflag:$0x1] =	stream.indirect_vreg.gather [hbm4b:s1+s3], $0x80, v3, vm0, $0xb8;
	[tilespmem:$0x10100] =	vst v63  }
0x6e: {  	s13 =	rddreg [dreg:$0x4]  }
0x6f: {  	[tilespmem:s23], [sflag:$0x3] =	stream.linear.gather [hbm4b:s13+s3], $0x80, $0x38;
	[tilespmem:$0x10100] =	vst v63  }
0x70: {  	_ =	swait.ge [sflag:s5], $0x80  }
0x71: {  	[sflag:s5] =	ssyncset.done $0x0  }
0x72: {  	[sflag:s5] =	ssyncadd.s32 $0xFFFFFF80  }
0x73: {  	v3 =	vld [tilespmem:$0x80];
	_ =	sdelay $0x4  }
0x74: {  	v40 =	vshll.u32 v3, $0x1  }
0x75: {  	v3 =	vand.u32 $0x7, v3;
	v4 =	vand.u32 $0xFFFFFFF0, v40  }
0x76: {  	v3 =	vor.u32 v3, v4  }
0x77: {  	v4 =	vperm.xlane v3, v0;
	_ =	sdelay $0x1  }
0x78: {  	v3 =	vperm.xlane v3, v2;
	v4 =	vadd.s32 v1, v4;
	_ =	sdelay $0x1  }
0x79: {  	v3 =	vadd.s32 v1, v3;
	_ =	sdelay $0x1  }
0x7a: {  	s0 =	simm.s32 $0x8100  }
0x7b: {  	[tilespmem:s0], [sflag:$0x2] =	stream.indirect_vreg.gather [hbm4b:s1+s3], $0x80, v4, vm0, $0xb8;
	[tilespmem:$0x10100] =	vst v63  }
0x7c: {  	_ = 	snop  }
0x7d: {  	[tilespmem:s7], [sflag:$0x2] =	stream.indirect_vreg.gather [hbm4b:s1+s3], $0x80, v3, vm0, $0xb8;
	[tilespmem:$0x10100] =	vst v63  }
0x7e: {  	v3 =	vld [tilespmem:$0x90];
	_ =	sdelay $0x4  }
0x7f: {  	v41 =	vshll.u32 v3, $0x1  }
0x80: {  	v3 =	vand.u32 $0x7, v3;
	v4 =	vand.u32 $0xFFFFFFF0, v41  }
0x81: {  	v3 =	vor.u32 v3, v4  }
0x82: {  	v4 =	vperm.xlane v3, v0;
	_ =	sdelay $0x1  }
0x83: {  	v3 =	vperm.xlane v3, v2;
	v4 =	vadd.s32 v1, v4;
	_ =	sdelay $0x1  }
0x84: {  	v3 =	vadd.s32 v1, v3;
	_ =	sdelay $0x2  }
0x85: {  	[tilespmem:s8], [sflag:$0x2] =	stream.indirect_vreg.gather [hbm4b:s1+s3], $0x80, v4, vm0, $0xb8;
	[tilespmem:$0x10100] =	vst v63  }
0x86: {  	_ = 	snop  }
0x87: {  	[tilespmem:s9], [sflag:$0x2] =	stream.indirect_vreg.gather [hbm4b:s1+s3], $0x80, v3, vm0, $0xb8;
	[tilespmem:$0x10100] =	vst v63  }
0x88: {  	v3 =	vld [tilespmem:$0xA0];
	_ =	sdelay $0x4  }
0x89: {  	v42 =	vshll.u32 v3, $0x1  }
0x8a: {  	v3 =	vand.u32 $0x7, v3;
	v4 =	vand.u32 $0xFFFFFFF0, v42  }
0x8b: {  	v3 =	vor.u32 v3, v4  }
0x8c: {  	v4 =	vperm.xlane v3, v0;
	_ =	sdelay $0x1  }
0x8d: {  	v3 =	vperm.xlane v3, v2;
	v4 =	vadd.s32 v1, v4;
	_ =	sdelay $0x1  }
0x8e: {  	v3 =	vadd.s32 v1, v3;
	_ =	sdelay $0x2  }
0x8f: {  	[tilespmem:s10], [sflag:$0x2] =	stream.indirect_vreg.gather [hbm4b:s1+s3], $0x80, v4, vm0, $0xb8;
	[tilespmem:$0x10100] =	vst v63  }
0x90: {  	_ = 	snop  }
0x91: {  	[tilespmem:s11], [sflag:$0x2] =	stream.indirect_vreg.gather [hbm4b:s1+s3], $0x80, v3, vm0, $0xb8;
	[tilespmem:$0x10100] =	vst v63  }
0x92: {  	v3 =	vld [tilespmem:$0xB0];
	_ =	sdelay $0x4  }
0x93: {  	v43 =	vshll.u32 v3, $0x1  }
0x94: {  	v3 =	vand.u32 $0x7, v3;
	v4 =	vand.u32 $0xFFFFFFF0, v43  }
0x95: {  	v3 =	vor.u32 v3, v4  }
0x96: {  	v4 =	vperm.xlane v3, v0;
	_ =	sdelay $0x1  }
0x97: {  	v3 =	vperm.xlane v3, v2;
	v4 =	vadd.s32 v1, v4;
	_ =	sdelay $0x1  }
0x98: {  	v3 =	vadd.s32 v1, v3;
	_ =	sdelay $0x2  }
0x99: {  	[tilespmem:s12], [sflag:$0x2] =	stream.indirect_vreg.gather [hbm4b:s1+s3], $0x80, v4, vm0, $0xb8;
	[tilespmem:$0x10100] =	vst v63  }
0x9a: {  	s13 =	simm.s32 $0xB900  }
0x9b: {  	[tilespmem:s13], [sflag:$0x2] =	stream.indirect_vreg.gather [hbm4b:s1+s3], $0x80, v3, vm0, $0xb8;
	[tilespmem:$0x10100] =	vst v63  }
0x9c: {  	v3 =	vld [tilespmem:$0xC0];
	_ =	sdelay $0x4  }
0x9d: {  	v44 =	vshll.u32 v3, $0x1  }
0x9e: {  	v3 =	vand.u32 $0x7, v3;
	v4 =	vand.u32 $0xFFFFFFF0, v44  }
0x9f: {  	v3 =	vor.u32 v3, v4  }
0xa0: {  	v4 =	vperm.xlane v3, v0;
	_ =	sdelay $0x1  }
0xa1: {  	v3 =	vperm.xlane v3, v2;
	v4 =	vadd.s32 v1, v4;
	_ =	sdelay $0x1  }
0xa2: {  	v3 =	vadd.s32 v1, v3;
	_ =	sdelay $0x1  }
0xa3: {  	s15 =	simm.s32 $0xC100  }
0xa4: {  	[tilespmem:s15], [sflag:$0x2] =	stream.indirect_vreg.gather [hbm4b:s1+s3], $0x80, v4, vm0, $0xb8;
	[tilespmem:$0x10100] =	vst v63  }
0xa5: {  	s15 =	simm.s32 $0xC900  }
0xa6: {  	[tilespmem:s15], [sflag:$0x2] =	stream.indirect_vreg.gather [hbm4b:s1+s3], $0x80, v3, vm0, $0xb8;
	[tilespmem:$0x10100] =	vst v63  }
0xa7: {  	v3 =	vld [tilespmem:$0xD0];
	_ =	sdelay $0x4  }
0xa8: {  	v45 =	vshll.u32 v3, $0x1  }
0xa9: {  	v3 =	vand.u32 $0x7, v3;
	v4 =	vand.u32 $0xFFFFFFF0, v45  }
0xaa: {  	v3 =	vor.u32 v3, v4  }
0xab: {  	v4 =	vperm.xlane v3, v0;
	_ =	sdelay $0x1  }
0xac: {  	v3 =	vperm.xlane v3, v2;
	v4 =	vadd.s32 v1, v4;
	_ =	sdelay $0x1  }
0xad: {  	v3 =	vadd.s32 v1, v3;
	_ =	sdelay $0x1  }
0xae: {  	s15 =	simm.s32 $0xD100  }
0xaf: {  	[tilespmem:s15], [sflag:$0x2] =	stream.indirect_vreg.gather [hbm4b:s1+s3], $0x80, v4, vm0, $0xb8;
	[tilespmem:$0x10100] =	vst v63  }
0xb0: {  	s15 =	simm.s32 $0xD900  }
0xb1: {  	[tilespmem:s15], [sflag:$0x2] =	stream.indirect_vreg.gather [hbm4b:s1+s3], $0x80, v3, vm0, $0xb8;
	[tilespmem:$0x10100] =	vst v63  }
0xb2: {  	v3 =	vld [tilespmem:$0xE0];
	_ =	sdelay $0x4  }
0xb3: {  	v46 =	vshll.u32 v3, $0x1  }
0xb4: {  	v3 =	vand.u32 $0x7, v3;
	v4 =	vand.u32 $0xFFFFFFF0, v46  }
0xb5: {  	v3 =	vor.u32 v3, v4  }
0xb6: {  	v4 =	vperm.xlane v3, v0;
	_ =	sdelay $0x1  }
0xb7: {  	v3 =	vperm.xlane v3, v2;
	v4 =	vadd.s32 v1, v4;
	_ =	sdelay $0x1  }
0xb8: {  	v3 =	vadd.s32 v1, v3;
	_ =	sdelay $0x1  }
0xb9: {  	s15 =	simm.s32 $0xE100  }
0xba: {  	[tilespmem:s15], [sflag:$0x2] =	stream.indirect_vreg.gather [hbm4b:s1+s3], $0x80, v4, vm0, $0xb8;
	[tilespmem:$0x10100] =	vst v63  }
0xbb: {  	s15 =	simm.s32 $0xE900  }
0xbc: {  	[tilespmem:s15], [sflag:$0x2] =	stream.indirect_vreg.gather [hbm4b:s1+s3], $0x80, v3, vm0, $0xb8;
	[tilespmem:$0x10100] =	vst v63  }
0xbd: {  	v3 =	vld [tilespmem:$0xF0];
	_ =	sdelay $0x4  }
0xbe: {  	v47 =	vshll.u32 v3, $0x1  }
0xbf: {  	v3 =	vand.u32 $0x7, v3;
	v4 =	vand.u32 $0xFFFFFFF0, v47  }
0xc0: {  	v3 =	vor.u32 v3, v4  }
0xc1: {  	v4 =	vperm.xlane v3, v0;
	_ =	sdelay $0x1  }
0xc2: {  	v3 =	vperm.xlane v3, v2;
	v4 =	vadd.s32 v1, v4;
	_ =	sdelay $0x1  }
0xc3: {  	v3 =	vadd.s32 v1, v3;
	_ =	sdelay $0x1  }
0xc4: {  	s15 =	simm.s32 $0xF100  }
0xc5: {  	[tilespmem:s15], [sflag:$0x2] =	stream.indirect_vreg.gather [hbm4b:s1+s3], $0x80, v4, vm0, $0xb8;
	[tilespmem:$0x10100] =	vst v63  }
0xc6: {  	s15 =	simm.s32 $0xF900  }
0xc7: {  	[tilespmem:s15], [sflag:$0x2] =	stream.indirect_vreg.gather [hbm4b:s1+s3], $0x80, v3, vm0, $0xb8;
	[tilespmem:$0x10100] =	vst v63  }
0xc8: {  	_ =	swait.ge [sflag:s6], $0x8000  }
0xc9: {  	[sflag:s6] =	ssyncset.done $0x0  }
0xca: {  	s13 =	simm.s32 $0x100;
	s15 =	rddreg [dreg:$0x5];
	[sflag:s6] =	ssyncadd.s32 $0xFFFF8000  }
0xcb: {  	[hbm4b:s15+s3] =	stream.linear.scatter [tilespmem:s13], [sflag:$0x3], $0x8000, $0x38;
	[tilespmem:$0x10100] =	vst v63  }
0xcc: {  	_ =	swait.ge [sflag:s5], $0x8000  }
0xcd: {  	[sflag:s5] =	ssyncset.done $0x0  }
0xce: {  	s15 =	rddreg [dreg:$0x6];
	[sflag:s5] =	ssyncadd.s32 $0xFFFF8000  }
0xcf: {  	[tilespmem:s3], [sflag:$0x3] =	stream.linear.gather [hbm4b:s15+s3], $0x80, $0x38;
	[tilespmem:$0x10100] =	vst v63  }
0xd0: {  	_ =	swait.ge [sflag:s5], $0x80  }
0xd1: {  	[sflag:s5] =	ssyncset.done $0x0  }
0xd2: {  	[sflag:s5] =	ssyncadd.s32 $0xFFFFFF80  }
0xd3: {  	v3 =	vld [tilespmem:$0x0];
	_ =	sdelay $0x4  }
0xd4: {  	v48 =	vshll.u32 v3, $0x1  }
0xd5: {  	v3 =	vand.u32 $0x7, v3;
	v4 =	vand.u32 $0xFFFFFFF0, v48  }
0xd6: {  	v3 =	vor.u32 v3, v4  }
0xd7: {  	v4 =	vperm.xlane v3, v0;
	_ =	sdelay $0x1  }
0xd8: {  	v3 =	vperm.xlane v3, v2;
	v4 =	vadd.s32 v1, v4;
	_ =	sdelay $0x1  }
0xd9: {  	v3 =	vadd.s32 v1, v3;
	_ =	sdelay $0x2  }
0xda: {  	[tilespmem:s13], [sflag:$0x1] =	stream.indirect_vreg.gather [hbm4b:s1+s3], $0x80, v4, vm0, $0xb8;
	[tilespmem:$0x10100] =	vst v63  }
0xdb: {  	_ = 	snop  }
0xdc: {  	[tilespmem:s16], [sflag:$0x1] =	stream.indirect_vreg.gather [hbm4b:s1+s3], $0x80, v3, vm0, $0xb8;
	[tilespmem:$0x10100] =	vst v63  }
0xdd: {  	v3 =	vld [tilespmem:$0x10];
	_ =	sdelay $0x4  }
0xde: {  	v49 =	vshll.u32 v3, $0x1  }
0xdf: {  	v3 =	vand.u32 $0x7, v3;
	v4 =	vand.u32 $0xFFFFFFF0, v49  }
0xe0: {  	v3 =	vor.u32 v3, v4  }
0xe1: {  	v4 =	vperm.xlane v3, v0;
	_ =	sdelay $0x1  }
0xe2: {  	v3 =	vperm.xlane v3, v2;
	v4 =	vadd.s32 v1, v4;
	_ =	sdelay $0x1  }
0xe3: {  	v3 =	vadd.s32 v1, v3;
	_ =	sdelay $0x2  }
0xe4: {  	[tilespmem:s17], [sflag:$0x1] =	stream.indirect_vreg.gather [hbm4b:s1+s3], $0x80, v4, vm0, $0xb8;
	[tilespmem:$0x10100] =	vst v63  }
0xe5: {  	_ = 	snop  }
0xe6: {  	[tilespmem:s18], [sflag:$0x1] =	stream.indirect_vreg.gather [hbm4b:s1+s3], $0x80, v3, vm0, $0xb8;
	[tilespmem:$0x10100] =	vst v63  }
0xe7: {  	v3 =	vld [tilespmem:$0x20];
	_ =	sdelay $0x4  }
0xe8: {  	v50 =	vshll.u32 v3, $0x1  }
0xe9: {  	v3 =	vand.u32 $0x7, v3;
	v4 =	vand.u32 $0xFFFFFFF0, v50  }
0xea: {  	v3 =	vor.u32 v3, v4  }
0xeb: {  	v4 =	vperm.xlane v3, v0;
	_ =	sdelay $0x1  }
0xec: {  	v3 =	vperm.xlane v3, v2;
	v4 =	vadd.s32 v1, v4;
	_ =	sdelay $0x1  }
0xed: {  	v3 =	vadd.s32 v1, v3;
	_ =	sdelay $0x2  }
0xee: {  	[tilespmem:s19], [sflag:$0x1] =	stream.indirect_vreg.gather [hbm4b:s1+s3], $0x80, v4, vm0, $0xb8;
	[tilespmem:$0x10100] =	vst v63  }
0xef: {  	_ = 	snop  }
0xf0: {  	[tilespmem:s20], [sflag:$0x1] =	stream.indirect_vreg.gather [hbm4b:s1+s3], $0x80, v3, vm0, $0xb8;
	[tilespmem:$0x10100] =	vst v63  }
0xf1: {  	v3 =	vld [tilespmem:$0x30];
	_ =	sdelay $0x4  }
0xf2: {  	v51 =	vshll.u32 v3, $0x1  }
0xf3: {  	v3 =	vand.u32 $0x7, v3;
	v4 =	vand.u32 $0xFFFFFFF0, v51  }
0xf4: {  	v3 =	vor.u32 v3, v4  }
0xf5: {  	v4 =	vperm.xlane v3, v0;
	_ =	sdelay $0x1  }
0xf6: {  	v3 =	vperm.xlane v3, v2;
	v4 =	vadd.s32 v1, v4;
	_ =	sdelay $0x1  }
0xf7: {  	v3 =	vadd.s32 v1, v3;
	_ =	sdelay $0x2  }
0xf8: {  	[tilespmem:s21], [sflag:$0x1] =	stream.indirect_vreg.gather [hbm4b:s1+s3], $0x80, v4, vm0, $0xb8;
	[tilespmem:$0x10100] =	vst v63  }
0xf9: {  	_ = 	snop  }
0xfa: {  	[tilespmem:s22], [sflag:$0x1] =	stream.indirect_vreg.gather [hbm4b:s1+s3], $0x80, v3, vm0, $0xb8;
	[tilespmem:$0x10100] =	vst v63  }
0xfb: {  	v3 =	vld [tilespmem:$0x40];
	_ =	sdelay $0x4  }
0xfc: {  	v52 =	vshll.u32 v3, $0x1  }
0xfd: {  	v3 =	vand.u32 $0x7, v3;
	v4 =	vand.u32 $0xFFFFFFF0, v52  }
0xfe: {  	v3 =	vor.u32 v3, v4  }
0xff: {  	v4 =	vperm.xlane v3, v0;
	_ =	sdelay $0x1  }
0x100: {  	v3 =	vperm.xlane v3, v2;
	v4 =	vadd.s32 v1, v4;
	_ =	sdelay $0x1  }
0x101: {  	v3 =	vadd.s32 v1, v3;
	_ =	sdelay $0x2  }
0x102: {  	[tilespmem:s24], [sflag:$0x1] =	stream.indirect_vreg.gather [hbm4b:s1+s3], $0x80, v4, vm0, $0xb8;
	[tilespmem:$0x10100] =	vst v63  }
0x103: {  	_ = 	snop  }
0x104: {  	[tilespmem:s25], [sflag:$0x1] =	stream.indirect_vreg.gather [hbm4b:s1+s3], $0x80, v3, vm0, $0xb8;
	[tilespmem:$0x10100] =	vst v63  }
0x105: {  	v3 =	vld [tilespmem:$0x50];
	_ =	sdelay $0x4  }
0x106: {  	v53 =	vshll.u32 v3, $0x1  }
0x107: {  	v3 =	vand.u32 $0x7, v3;
	v4 =	vand.u32 $0xFFFFFFF0, v53  }
0x108: {  	v3 =	vor.u32 v3, v4  }
0x109: {  	v4 =	vperm.xlane v3, v0;
	_ =	sdelay $0x1  }
0x10a: {  	v3 =	vperm.xlane v3, v2;
	v4 =	vadd.s32 v1, v4;
	_ =	sdelay $0x1  }
0x10b: {  	v3 =	vadd.s32 v1, v3;
	_ =	sdelay $0x2  }
0x10c: {  	[tilespmem:s26], [sflag:$0x1] =	stream.indirect_vreg.gather [hbm4b:s1+s3], $0x80, v4, vm0, $0xb8;
	[tilespmem:$0x10100] =	vst v63  }
0x10d: {  	_ = 	snop  }
0x10e: {  	[tilespmem:s28], [sflag:$0x1] =	stream.indirect_vreg.gather [hbm4b:s1+s3], $0x80, v3, vm0, $0xb8;
	[tilespmem:$0x10100] =	vst v63  }
0x10f: {  	v3 =	vld [tilespmem:$0x60];
	_ =	sdelay $0x4  }
0x110: {  	v54 =	vshll.u32 v3, $0x1  }
0x111: {  	v3 =	vand.u32 $0x7, v3;
	v4 =	vand.u32 $0xFFFFFFF0, v54  }
0x112: {  	v3 =	vor.u32 v3, v4  }
0x113: {  	v4 =	vperm.xlane v3, v0;
	_ =	sdelay $0x1  }
0x114: {  	v3 =	vperm.xlane v3, v2;
	v4 =	vadd.s32 v1, v4;
	_ =	sdelay $0x1  }
0x115: {  	v3 =	vadd.s32 v1, v3;
	_ =	sdelay $0x2  }
0x116: {  	[tilespmem:s29], [sflag:$0x1] =	stream.indirect_vreg.gather [hbm4b:s1+s3], $0x80, v4, vm0, $0xb8;
	[tilespmem:$0x10100] =	vst v63  }
0x117: {  	_ = 	snop  }
0x118: {  	[tilespmem:s30], [sflag:$0x1] =	stream.indirect_vreg.gather [hbm4b:s1+s3], $0x80, v3, vm0, $0xb8;
	[tilespmem:$0x10100] =	vst v63  }
0x119: {  	v3 =	vld [tilespmem:$0x70];
	_ =	sdelay $0x4  }
0x11a: {  	v55 =	vshll.u32 v3, $0x1  }
0x11b: {  	v3 =	vand.u32 $0x7, v3;
	v4 =	vand.u32 $0xFFFFFFF0, v55  }
0x11c: {  	v3 =	vor.u32 v3, v4  }
0x11d: {  	v4 =	vperm.xlane v3, v0;
	_ =	sdelay $0x1  }
0x11e: {  	v3 =	vperm.xlane v3, v2;
	v4 =	vadd.s32 v1, v4;
	_ =	sdelay $0x1  }
0x11f: {  	v3 =	vadd.s32 v1, v3;
	_ =	sdelay $0x2  }
0x120: {  	[tilespmem:s31], [sflag:$0x1] =	stream.indirect_vreg.gather [hbm4b:s1+s3], $0x80, v4, vm0, $0xb8;
	[tilespmem:$0x10100] =	vst v63  }
0x121: {  	_ = 	snop  }
0x122: {  	[tilespmem:s2], [sflag:$0x1] =	stream.indirect_vreg.gather [hbm4b:s1+s3], $0x80, v3, vm0, $0xb8;
	[tilespmem:$0x10100] =	vst v63  }
0x123: {  	_ =	swait.ge [sflag:s14], $0x8000  }
0x124: {  	[sflag:s14] =	ssyncset.done $0x0  }
0x125: {  	s2 =	rddreg [dreg:$0x7];
	[sflag:s14] =	ssyncadd.s32 $0xFFFF8000  }
0x126: {  	[hbm4b:s2+s3] =	stream.linear.scatter [tilespmem:s0], [sflag:$0x3], $0x8000, $0x38;
	[tilespmem:$0x10100] =	vst v63  }
0x127: {  	_ =	swait.ge [sflag:s5], $0x8000  }
0x128: {  	[sflag:s5] =	ssyncset.done $0x0  }
0x129: {  	s2 =	rddreg [dreg:$0x8];
	[sflag:s5] =	ssyncadd.s32 $0xFFFF8000  }
0x12a: {  	[tilespmem:s23], [sflag:$0x3] =	stream.linear.gather [hbm4b:s2+s3], $0x80, $0x38;
	[tilespmem:$0x10100] =	vst v63  }
0x12b: {  	_ =	swait.ge [sflag:s5], $0x80  }
0x12c: {  	[sflag:s5] =	ssyncset.done $0x0  }
0x12d: {  	[sflag:s5] =	ssyncadd.s32 $0xFFFFFF80  }
0x12e: {  	v3 =	vld [tilespmem:$0x80];
	_ =	sdelay $0x4  }
0x12f: {  	v56 =	vshll.u32 v3, $0x1  }
0x130: {  	v3 =	vand.u32 $0x7, v3;
	v4 =	vand.u32 $0xFFFFFFF0, v56  }
0x131: {  	v3 =	vor.u32 v3, v4  }
0x132: {  	v4 =	vperm.xlane v3, v0;
	_ =	sdelay $0x1  }
0x133: {  	v3 =	vperm.xlane v3, v2;
	v4 =	vadd.s32 v1, v4;
	_ =	sdelay $0x1  }
0x134: {  	v3 =	vadd.s32 v1, v3;
	_ =	sdelay $0x2  }
0x135: {  	[tilespmem:s0], [sflag:$0x2] =	stream.indirect_vreg.gather [hbm4b:s1+s3], $0x80, v4, vm0, $0xb8;
	[tilespmem:$0x10100] =	vst v63  }
0x136: {  	_ = 	snop  }
0x137: {  	[tilespmem:s7], [sflag:$0x2] =	stream.indirect_vreg.gather [hbm4b:s1+s3], $0x80, v3, vm0, $0xb8;
	[tilespmem:$0x10100] =	vst v63  }
0x138: {  	v3 =	vld [tilespmem:$0x90];
	_ =	sdelay $0x4  }
0x139: {  	v57 =	vshll.u32 v3, $0x1  }
0x13a: {  	v3 =	vand.u32 $0x7, v3;
	v4 =	vand.u32 $0xFFFFFFF0, v57  }
0x13b: {  	v3 =	vor.u32 v3, v4  }
0x13c: {  	v4 =	vperm.xlane v3, v0;
	_ =	sdelay $0x1  }
0x13d: {  	v3 =	vperm.xlane v3, v2;
	v4 =	vadd.s32 v1, v4;
	_ =	sdelay $0x1  }
0x13e: {  	v3 =	vadd.s32 v1, v3;
	_ =	sdelay $0x2  }
0x13f: {  	[tilespmem:s8], [sflag:$0x2] =	stream.indirect_vreg.gather [hbm4b:s1+s3], $0x80, v4, vm0, $0xb8;
	[tilespmem:$0x10100] =	vst v63  }
0x140: {  	_ = 	snop  }
0x141: {  	[tilespmem:s9], [sflag:$0x2] =	stream.indirect_vreg.gather [hbm4b:s1+s3], $0x80, v3, vm0, $0xb8;
	[tilespmem:$0x10100] =	vst v63  }
0x142: {  	v3 =	vld [tilespmem:$0xA0];
	_ =	sdelay $0x4  }
0x143: {  	v58 =	vshll.u32 v3, $0x1  }
0x144: {  	v3 =	vand.u32 $0x7, v3;
	v4 =	vand.u32 $0xFFFFFFF0, v58  }
0x145: {  	v3 =	vor.u32 v3, v4  }
0x146: {  	v4 =	vperm.xlane v3, v0;
	_ =	sdelay $0x1  }
0x147: {  	v3 =	vperm.xlane v3, v2;
	v4 =	vadd.s32 v1, v4;
	_ =	sdelay $0x1  }
0x148: {  	v3 =	vadd.s32 v1, v3;
	_ =	sdelay $0x2  }
0x149: {  	[tilespmem:s10], [sflag:$0x2] =	stream.indirect_vreg.gather [hbm4b:s1+s3], $0x80, v4, vm0, $0xb8;
	[tilespmem:$0x10100] =	vst v63  }
0x14a: {  	_ = 	snop  }
0x14b: {  	[tilespmem:s11], [sflag:$0x2] =	stream.indirect_vreg.gather [hbm4b:s1+s3], $0x80, v3, vm0, $0xb8;
	[tilespmem:$0x10100] =	vst v63  }
0x14c: {  	v3 =	vld [tilespmem:$0xB0];
	_ =	sdelay $0x4  }
0x14d: {  	v59 =	vshll.u32 v3, $0x1  }
0x14e: {  	v3 =	vand.u32 $0x7, v3;
	v4 =	vand.u32 $0xFFFFFFF0, v59  }
0x14f: {  	v3 =	vor.u32 v3, v4  }
0x150: {  	v4 =	vperm.xlane v3, v0;
	_ =	sdelay $0x1  }
0x151: {  	v3 =	vperm.xlane v3, v2;
	v4 =	vadd.s32 v1, v4;
	_ =	sdelay $0x1  }
0x152: {  	v3 =	vadd.s32 v1, v3;
	_ =	sdelay $0x2  }
0x153: {  	[tilespmem:s12], [sflag:$0x2] =	stream.indirect_vreg.gather [hbm4b:s1+s3], $0x80, v4, vm0, $0xb8;
	[tilespmem:$0x10100] =	vst v63  }
0x154: {  	s15 =	simm.s32 $0xB900  }
0x155: {  	[tilespmem:s15], [sflag:$0x2] =	stream.indirect_vreg.gather [hbm4b:s1+s3], $0x80, v3, vm0, $0xb8;
	[tilespmem:$0x10100] =	vst v63  }
0x156: {  	v3 =	vld [tilespmem:$0xC0];
	_ =	sdelay $0x4  }
0x157: {  	v60 =	vshll.u32 v3, $0x1  }
0x158: {  	v3 =	vand.u32 $0x7, v3;
	v4 =	vand.u32 $0xFFFFFFF0, v60  }
0x159: {  	v3 =	vor.u32 v3, v4  }
0x15a: {  	v4 =	vperm.xlane v3, v0;
	_ =	sdelay $0x1  }
0x15b: {  	v3 =	vperm.xlane v3, v2;
	v4 =	vadd.s32 v1, v4;
	_ =	sdelay $0x1  }
0x15c: {  	v3 =	vadd.s32 v1, v3;
	_ =	sdelay $0x1  }
0x15d: {  	s15 =	simm.s32 $0xC100  }
0x15e: {  	[tilespmem:s15], [sflag:$0x2] =	stream.indirect_vreg.gather [hbm4b:s1+s3], $0x80, v4, vm0, $0xb8;
	[tilespmem:$0x10100] =	vst v63  }
0x15f: {  	s15 =	simm.s32 $0xC900  }
0x160: {  	[tilespmem:s15], [sflag:$0x2] =	stream.indirect_vreg.gather [hbm4b:s1+s3], $0x80, v3, vm0, $0xb8;
	[tilespmem:$0x10100] =	vst v63  }
0x161: {  	v3 =	vld [tilespmem:$0xD0];
	_ =	sdelay $0x4  }
0x162: {  	v61 =	vshll.u32 v3, $0x1  }
0x163: {  	v3 =	vand.u32 $0x7, v3;
	v4 =	vand.u32 $0xFFFFFFF0, v61  }
0x164: {  	v3 =	vor.u32 v3, v4  }
0x165: {  	v4 =	vperm.xlane v3, v0;
	_ =	sdelay $0x1  }
0x166: {  	v3 =	vperm.xlane v3, v2;
	v4 =	vadd.s32 v1, v4;
	_ =	sdelay $0x1  }
0x167: {  	v3 =	vadd.s32 v1, v3;
	_ =	sdelay $0x1  }
0x168: {  	s15 =	simm.s32 $0xD100  }
0x169: {  	[tilespmem:s15], [sflag:$0x2] =	stream.indirect_vreg.gather [hbm4b:s1+s3], $0x80, v4, vm0, $0xb8;
	[tilespmem:$0x10100] =	vst v63  }
0x16a: {  	s15 =	simm.s32 $0xD900  }
0x16b: {  	[tilespmem:s15], [sflag:$0x2] =	stream.indirect_vreg.gather [hbm4b:s1+s3], $0x80, v3, vm0, $0xb8;
	[tilespmem:$0x10100] =	vst v63  }
0x16c: {  	v3 =	vld [tilespmem:$0xE0];
	_ =	sdelay $0x4  }
0x16d: {  	v62 =	vshll.u32 v3, $0x1  }
0x16e: {  	v3 =	vand.u32 $0x7, v3;
	v4 =	vand.u32 $0xFFFFFFF0, v62  }
0x16f: {  	v3 =	vor.u32 v3, v4  }
0x170: {  	v4 =	vperm.xlane v3, v0;
	_ =	sdelay $0x1  }
0x171: {  	v3 =	vperm.xlane v3, v2;
	v4 =	vadd.s32 v1, v4;
	_ =	sdelay $0x1  }
0x172: {  	v3 =	vadd.s32 v1, v3;
	_ =	sdelay $0x1  }
0x173: {  	s15 =	simm.s32 $0xE100  }
0x174: {  	[tilespmem:s15], [sflag:$0x2] =	stream.indirect_vreg.gather [hbm4b:s1+s3], $0x80, v4, vm0, $0xb8;
	[tilespmem:$0x10100] =	vst v63  }
0x175: {  	s15 =	simm.s32 $0xE900  }
0x176: {  	[tilespmem:s15], [sflag:$0x2] =	stream.indirect_vreg.gather [hbm4b:s1+s3], $0x80, v3, vm0, $0xb8;
	[tilespmem:$0x10100] =	vst v63  }
0x177: {  	v3 =	vld [tilespmem:$0xF0];
	_ =	sdelay $0x4  }
0x178: {  	v63 =	vshll.u32 v3, $0x1  }
0x179: {  	v3 =	vand.u32 $0x7, v3;
	v4 =	vand.u32 $0xFFFFFFF0, v63  }
0x17a: {  	v3 =	vor.u32 v3, v4  }
0x17b: {  	v4 =	vperm.xlane v3, v0;
	_ =	sdelay $0x1  }
0x17c: {  	v3 =	vperm.xlane v3, v2;
	v4 =	vadd.s32 v1, v4;
	_ =	sdelay $0x1  }
0x17d: {  	v3 =	vadd.s32 v1, v3;
	_ =	sdelay $0x1  }
0x17e: {  	s15 =	simm.s32 $0xF100  }
0x17f: {  	[tilespmem:s15], [sflag:$0x2] =	stream.indirect_vreg.gather [hbm4b:s1+s3], $0x80, v4, vm0, $0xb8;
	[tilespmem:$0x10100] =	vst v63  }
0x180: {  	s15 =	simm.s32 $0xF900  }
0x181: {  	[tilespmem:s15], [sflag:$0x2] =	stream.indirect_vreg.gather [hbm4b:s1+s3], $0x80, v3, vm0, $0xb8;
	[tilespmem:$0x10100] =	vst v63  }
0x182: {  	_ =	swait.ge [sflag:s6], $0x8000  }
0x183: {  	[sflag:s6] =	ssyncset.done $0x0  }
0x184: {  	s13 =	simm.s32 $0x100;
	s2 =	rddreg [dreg:$0x9];
	[sflag:s6] =	ssyncadd.s32 $0xFFFF8000  }
0x185: {  	[hbm4b:s2+s3] =	stream.linear.scatter [tilespmem:s13], [sflag:$0x3], $0x8000, $0x38;
	[tilespmem:$0x10100] =	vst v63  }
0x186: {  	_ =	swait.ge [sflag:s5], $0x8000  }
0x187: {  	[sflag:s5] =	ssyncset.done $0x0  }
0x188: {  	[sflag:s5] =	ssyncadd.s32 $0xFFFF8000  }
0x189: {  	_ =	swait.ge [sflag:s14], $0x8000  }
0x18a: {  	p0 =	sne.s32 s4, $0x1;
	[sflag:s14] =	ssyncset.done $0x0  }
.Ltmp0:
0x18b: {  	s13 =	rddreg [dreg:$0xa];
	[sflag:s14] =	ssyncadd.s32 $0xFFFF8000;
	(pc) =	sbr.rel @p0 .LBB2_1-.Ltmp0, $4  }
0x18c: {  	[hbm4b:s13+s3] =	stream.linear.scatter [tilespmem:s0], [sflag:$0x3], $0x8000, $0x38;
	[tilespmem:$0x10100] =	vst v63  }
0x18d: {  	_ =	swait.ge [sflag:s5], $0x8000  }
0x18e: {  	[sflag:s5] =	ssyncset.done $0x0  }
0x18f: {  	s4 =	sadd.s32 $0xFFFFFFFF, s4;
	[sflag:s5] =	ssyncadd.s32 $0xFFFF8000  }
0x190: {  	_ =	sfence.sel $0x180000  }
0x191: {  	[bflag:$0x0] =	sbarrier.arrive $0xFFFF  }
0x192: {  	_ =	strace $0x90000047  }
0x193: {  	s0 =	stileid.u32;
	[bflag:$0x2] =	sbarrier.arrive $0xFFFF  }
0x194: {  	p0 =	sne.s32 s0, $0x0;
	s0 =	rddreg [dreg:$0x2]  }
0x195: {  	s0 =	sadd.s32 @!p0 $0x100000, s0  }
0x196: {  	[sflag:s0] =	ssyncadd.tile.s32 @!p0 $0x1;
	_ =	shalt  }
.Lfunc_end2:
_tile_overlayer_lowered:
.L_overlay_start_2:
0x197: {  	(tag) =	ssettag $0x2  }
0x198: {  	s0 =	rddreg [dreg:$0x0];
	s2 =	stileid.u32  }
0x199: {  	s1 =	rddreg [dreg:$0x1];
	p0 =	sne.s32 s2, $0x0  }
0x19a: {  	s3 =	rddreg [dreg:$0x2];
	[bflag:$0x3] =	sbarrier.arrive $0xFFFF;
	s2 =	simm.s32 @!p0 $0x1C03  }
0x19b: {  	[timem:s3], [sflag:s2] =	dma.local @!p0 [hbm:s0], s1  }
0x19c: {  	s0 =	simm.s32 @!p0 $0x3  }
0x19d: {  	_ =	swait.ge @!p0 [sflag:s0], s1  }
0x19e: {  	s1 =	ssub.s32 @!p0 $0x0, s1;
	[sflag:s0] =	ssyncset.done @!p0 $0x0  }
0x19f: {  	[sflag:s0] =	ssyncadd.s32 @!p0 s1  }
0x1a0: {  	[bflag:$0x3] =	sbarrier.arrive $0xFFFF  }
0x1a1: {  	_ =	shalt  }

</sc_bundles>
